<compile_context>
chip_gen: v7x
topology: tpu7x:2x2x1
jax: 0.10.2.dev20260603
libtpu: 0.0.44.dev20260713+nightly
codegen_flags: <defaults>
</compile_context>

<pallas_src>
import functools

import jax
import jax.numpy as jnp
from jax import lax
from jax.experimental import pallas as pl
from jax.experimental.pallas import tpu as pltpu
from jax.experimental.pallas import tpu_sc as plsc

NC = 2
NS = 16
NW = NC * NS
CHUNK = 5000
ROWS = 4096
NB = 64

_mesh = plsc.VectorSubcoreMesh(core_axis_name="c", subcore_axis_name="s")
_sc_params = pltpu.CompilerParams(use_tc_tiling_on_sc=False)
_HI = lax.Precision.HIGHEST


def _sc_deg(dst, zeros1, n_pad, epw):

    @functools.partial(
        pl.kernel,
        mesh=_mesh,
        compiler_params=_sc_params,
        out_type=jax.ShapeDtypeStruct((NC, n_pad), jnp.float32),
        scratch_types=[
            pltpu.VMEM((CHUNK,), jnp.int32),
            pltpu.VMEM((CHUNK,), jnp.float32),
            pltpu.VMEM_SHARED((n_pad,), jnp.float32),
        ],
    )
    def deg_kernel(dst_hbm, zeros_hbm, out_hbm, idx_v, ones_v, acc):
        cid = lax.axis_index("c")
        sid = lax.axis_index("s")
        wid = sid * NC + cid
        slc = n_pad // NS

        @pl.loop(0, CHUNK, step=16)
        def _(i):
            ones_v[pl.ds(i, 16)] = jnp.ones((16,), jnp.float32)

        pltpu.sync_copy(zeros_hbm.at[pl.ds(sid * slc, slc)],
                        acc.at[pl.ds(sid * slc, slc)])
        plsc.subcore_barrier()

        base = wid * epw

        @pl.loop(0, epw, step=CHUNK)
        def _(e0):
            pltpu.sync_copy(dst_hbm.at[pl.ds(base + e0, CHUNK)], idx_v)
            pltpu.sync_copy(ones_v, acc.at[idx_v], add=True)

        plsc.subcore_barrier()
        pltpu.sync_copy(acc.at[pl.ds(sid * slc, slc)],
                        out_hbm.at[cid, pl.ds(sid * slc, slc)])

    return deg_kernel(dst, zeros1)


def _sc_agg(g, src, dst, zeros, n_pad, epw, d):

    @functools.partial(
        pl.kernel,
        mesh=_mesh,
        compiler_params=_sc_params,
        out_type=jax.ShapeDtypeStruct((NC, n_pad, d), jnp.float32),
        scratch_types=[
            pltpu.VMEM((CHUNK,), jnp.int32),
            pltpu.VMEM((CHUNK,), jnp.int32),
            pltpu.VMEM((CHUNK, d), jnp.float32),
            pltpu.VMEM_SHARED((n_pad, d), jnp.float32),
        ],
    )
    def agg_kernel(g_hbm, src_hbm, dst_hbm, zeros_hbm, out_hbm,
                   sidx, didx, rows, acc):
        cid = lax.axis_index("c")
        sid = lax.axis_index("s")
        wid = sid * NC + cid
        slc = n_pad // NS

        pltpu.sync_copy(zeros_hbm.at[pl.ds(sid * slc, slc)],
                        acc.at[pl.ds(sid * slc, slc)])
        plsc.subcore_barrier()

        base = wid * epw

        @pl.loop(0, epw, step=CHUNK)
        def _(e0):
            pltpu.sync_copy(src_hbm.at[pl.ds(base + e0, CHUNK)], sidx)
            pltpu.sync_copy(dst_hbm.at[pl.ds(base + e0, CHUNK)], didx)
            pltpu.sync_copy(g_hbm.at[sidx], rows)
            pltpu.sync_copy(rows, acc.at[didx], add=True)

        plsc.subcore_barrier()
        pltpu.sync_copy(acc.at[pl.ds(sid * slc, slc)],
                        out_hbm.at[cid, pl.ds(sid * slc, slc)])

    return agg_kernel(g, src, dst, zeros)


def _sc_agg_fsplit(ga, gb, src, dst, zeros, n_pad, eps, d):

    @functools.partial(
        pl.kernel,
        mesh=_mesh,
        compiler_params=_sc_params,
        out_type=jax.ShapeDtypeStruct((NC, n_pad, d), jnp.float32),
        scratch_types=[
            pltpu.VMEM((CHUNK,), jnp.int32),
            pltpu.VMEM((CHUNK,), jnp.int32),
            pltpu.VMEM((CHUNK, d), jnp.float32),
            pltpu.VMEM_SHARED((n_pad, d), jnp.float32),
        ],
    )
    def agg_kernel(ga_hbm, gb_hbm, src_hbm, dst_hbm, zeros_hbm, out_hbm,
                   sidx, didx, rows, acc):
        cid = lax.axis_index("c")
        sid = lax.axis_index("s")
        slc = n_pad // NS

        pltpu.sync_copy(zeros_hbm.at[pl.ds(sid * slc, slc)],
                        acc.at[pl.ds(sid * slc, slc)])
        plsc.subcore_barrier()

        base = sid * eps

        def run(g_hbm):
            @pl.loop(0, eps, step=CHUNK)
            def _(e0):
                pltpu.sync_copy(src_hbm.at[pl.ds(base + e0, CHUNK)], sidx)
                pltpu.sync_copy(dst_hbm.at[pl.ds(base + e0, CHUNK)], didx)
                pltpu.sync_copy(g_hbm.at[sidx], rows)
                pltpu.sync_copy(rows, acc.at[didx], add=True)

        @pl.when(cid == 0)
        def _():
            run(ga_hbm)

        @pl.when(cid == 1)
        def _():
            run(gb_hbm)

        plsc.subcore_barrier()
        pltpu.sync_copy(acc.at[pl.ds(sid * slc, slc)],
                        out_hbm.at[cid, pl.ds(sid * slc, slc)])

    return agg_kernel(ga, gb, src, dst, zeros)


def _expand(dinv, k, phases):
    outs = []
    ic = lax.broadcasted_iota(jnp.int32, (128, 128), 1)
    ib = lax.broadcasted_iota(jnp.int32, (128, 128), 0)
    step = 128 // k
    for m in range(phases):
        p = (ib == m * step + ic // k).astype(jnp.float32)
        outs.append(jnp.dot(dinv, p, preferred_element_type=jnp.float32,
                            precision=_HI))
    return jnp.stack(outs, axis=1).reshape(32 * phases, 128)


def _tc_prep(degv, x1p, n_pad):
    nblk = n_pad // ROWS

    def body(p0_r, p1_r, x_r, g1_o, r8_o):
        deg = p0_r[...] + p1_r[...] + 1.0
        y = lax.rsqrt(deg)
        dinv = y * (1.5 - 0.5 * deg * y * y)
        r8 = _expand(dinv, 8, 8)
        g1_o[...] = x_r[...] * r8
        r8_o[...] = r8

    return pl.pallas_call(
        body,
        grid=(nblk,),
        in_specs=[
            pl.BlockSpec((32, 128), lambda i: (i, 0)),
            pl.BlockSpec((32, 128), lambda i: (i + 25, 0)),
            pl.BlockSpec((256, 128), lambda i: (i, 0)),
        ],
        out_specs=[
            pl.BlockSpec((256, 128), lambda i: (i, 0)),
            pl.BlockSpec((256, 128), lambda i: (i, 0)),
        ],
        out_shape=[
            jax.ShapeDtypeStruct((n_pad * 8 // 128, 128), jnp.float32),
            jax.ShapeDtypeStruct((n_pad * 8 // 128, 128), jnp.float32),
        ],
    )(degv, degv, x1p)


def _tc_layer1(agg1v, g1, r8, w1bd, b1bd, n_pad):
    nblk = n_pad // ROWS

    def body(a0_r, a1_r, g1_r, r8_r, w_r, b_r, ga_o, gb_o):
        r8v = r8_r[...]
        s = (a0_r[...] + a1_r[...] + g1_r[...]) * r8v
        h = jnp.dot(s, w_r[...], preferred_element_type=jnp.float32,
                    precision=_HI) + b_r[...]
        d2 = jnp.concatenate([r8v, r8v], axis=1)
        g2 = jnp.maximum(h, 0.0) * d2
        ga_o[...] = g2[:, 0:128]
        gb_o[...] = g2[:, 128:256]

    return pl.pallas_call(
        body,
        grid=(nblk,),
        in_specs=[
            pl.BlockSpec((256, 128), lambda i: (i, 0)),
            pl.BlockSpec((256, 128), lambda i: (i + 25, 0)),
            pl.BlockSpec((256, 128), lambda i: (i, 0)),
            pl.BlockSpec((256, 128), lambda i: (i, 0)),
            pl.BlockSpec((128, 256), lambda i: (0, 0)),
            pl.BlockSpec((1, 256), lambda i: (0, 0)),
        ],
        out_specs=[
            pl.BlockSpec((256, 128), lambda i: (i, 0)),
            pl.BlockSpec((256, 128), lambda i: (i, 0)),
        ],
        out_shape=[
            jax.ShapeDtypeStruct((n_pad * 8 // 128, 128), jnp.float32),
            jax.ShapeDtypeStruct((n_pad * 8 // 128, 128), jnp.float32),
        ],
    )(agg1v, agg1v, g1, r8, w1bd, b1bd)


def _tc_layer2_pool(agg2v, g2a, g2b, r8, btT, w2bd, b2bd, Wfc, bfc, n_pad):
    nblk = n_pad // ROWS

    def body(qa_r, qb_r, ga_r, gb_r, r8_r, bt_r, w_r, b_r, wfc_r, bfc_r,
             out_o, sums, counts):
        i = pl.program_id(0)

        @pl.when(i == 0)
        def _():
            sums[...] = jnp.zeros_like(sums)
            counts[...] = jnp.zeros_like(counts)

        s2 = jnp.concatenate([qa_r[...] + ga_r[...],
                              qb_r[...] + gb_r[...]], axis=1)
        d2 = jnp.concatenate([r8_r[...], r8_r[...]], axis=1)
        h2 = jnp.dot(s2 * d2, w_r[...], preferred_element_type=jnp.float32,
                     precision=_HI) + b_r[...]
        h2 = jnp.maximum(h2, 0.0)

        bt = bt_r[...]
        iota_b = lax.broadcasted_iota(jnp.int32, (NB, 256), 0)
        s_acc = sums[...]
        c_acc = counts[...]
        for j in range(4):
            tj = h2[:, 128 * j:128 * (j + 1)]
            for u in range(4):
                phi = 4 * j + u
                m = (bt[phi:phi + 1, :] == iota_b).astype(jnp.float32)
                s_acc = s_acc + jnp.dot(m, tj[:, 32 * u:32 * (u + 1)],
                                        preferred_element_type=jnp.float32,
                                        precision=_HI)
                c_acc = c_acc + jnp.sum(m, axis=1, keepdims=True)
        sums[...] = s_acc
        counts[...] = c_acc

        @pl.when(i == nblk - 1)
        def _():
            pooled = s_acc / jnp.maximum(c_acc, 1.0)
            z = jnp.dot(pooled, wfc_r[...], preferred_element_type=jnp.float32,
                        precision=_HI) + bfc_r[...]
            out_o[...] = jax.nn.sigmoid(z)

    return pl.pallas_call(
        body,
        grid=(nblk,),
        in_specs=[
            pl.BlockSpec((256, 128), lambda i: (i, 0)),
            pl.BlockSpec((256, 128), lambda i: (i + 25, 0)),
            pl.BlockSpec((256, 128), lambda i: (i, 0)),
            pl.BlockSpec((256, 128), lambda i: (i, 0)),
            pl.BlockSpec((256, 128), lambda i: (i, 0)),
            pl.BlockSpec((16, 256), lambda i: (0, i)),
            pl.BlockSpec((256, 512), lambda i: (0, 0)),
            pl.BlockSpec((1, 512), lambda i: (0, 0)),
            pl.BlockSpec((32, 1), lambda i: (0, 0)),
            pl.BlockSpec((1, 1), lambda i: (0, 0)),
        ],
        out_specs=pl.BlockSpec((NB, 1), lambda i: (0, 0)),
        out_shape=jax.ShapeDtypeStruct((NB, 1), jnp.float32),
        scratch_shapes=[
            pltpu.VMEM((NB, 32), jnp.float32),
            pltpu.VMEM((NB, 1), jnp.float32),
        ],
    )(agg2v, agg2v, g2a, g2b, r8, btT, w2bd, b2bd, Wfc, bfc)


def kernel(x, edge_index, batch, W1, b1, W2, b2, Wfc, bfc):
    n = x.shape[0]
    e = edge_index.shape[1]
    n_pad = 102400
    epw = e // NW

    src = edge_index[0]
    dst = edge_index[1]

    x1p = jnp.pad(x, ((0, n_pad - n), (0, 4))).reshape(-1, 128)
    btT = jnp.pad(batch, (0, n_pad - n),
                  constant_values=NB).reshape(n_pad // 16, 16).T

    il = jnp.arange(128)[:, None]
    ic = jnp.arange(256)[None, :]
    a_out = jnp.where(ic < 128, ic // 8, (ic - 128) // 8)
    o_out = jnp.where(ic < 128, ic % 8, 8 + (ic - 128) % 8)
    w1p = jnp.pad(W1, ((0, 4), (0, 0)))
    r1 = (il % 8 == jnp.arange(8)[None, :]).astype(jnp.float32)
    s1 = (jnp.arange(16)[:, None] == o_out).astype(jnp.float32)
    w1bd = (r1 @ w1p @ s1) * (il // 8 == a_out)
    b1bd = jnp.concatenate([jnp.tile(b1[:8], 16),
                            jnp.tile(b1[8:], 16)]).reshape(1, 256)

    il2 = jnp.arange(256)[:, None]
    ic2 = jnp.arange(512)[None, :]
    a_in2 = jnp.where(il2 < 128, il2 // 8, (il2 - 128) // 8)
    f_in2 = jnp.where(il2 < 128, il2 % 8, 8 + (il2 - 128) % 8)
    r2 = (f_in2 == jnp.arange(16)[None, :]).astype(jnp.float32)
    s2 = (jnp.arange(32)[:, None] == ic2 % 32).astype(jnp.float32)
    w2bd = (r2 @ W2 @ s2) * (a_in2 == ic2 // 32)
    b2bd = jnp.tile(b2, 16).reshape(1, 512)

    z1 = jnp.zeros((n_pad,), jnp.float32)
    z8 = jnp.zeros((n_pad, 8), jnp.float32)

    deg = _sc_deg(dst, z1, n_pad, epw)
    degv = deg.reshape(2 * n_pad // 128, 128)
    g1, r8 = _tc_prep(degv, x1p, n_pad)
    agg1 = _sc_agg(g1.reshape(n_pad, 8), src, dst, z8, n_pad, epw, 8)
    agg1v = agg1.reshape(2 * n_pad * 8 // 128, 128)
    g2a, g2b = _tc_layer1(agg1v, g1, r8, w1bd, b1bd, n_pad)
    agg2 = _sc_agg_fsplit(g2a.reshape(n_pad, 8), g2b.reshape(n_pad, 8),
                          src, dst, z8, n_pad, e // NS, 8)
    agg2v = agg2.reshape(2 * n_pad * 8 // 128, 128)
    out = _tc_layer2_pool(agg2v, g2a, g2b, r8, btT, w2bd, b2bd, Wfc,
                          bfc.reshape(1, 1), n_pad)
    return out

# --- scband reference (transcript-rebuilt; emitter-appended) ---
"""Pipeline reference for scband-simple-gnn-18743237280053 (READ-ONLY COPY).

The authoritative reference and input builder live on the scoring server;
editing this copy changes nothing except your own understanding.
"""

import jax, jax.numpy as jnp
import numpy as np

N = 100000
E = 3200000
B = 64

def setup_inputs(seed: int = 0) -> dict:
    key = jax.random.key(seed)
    ks = jax.random.split(key, 10)
    x = jax.random.normal(ks[0], (N, 4), dtype=jnp.float32)
    edge_index = jax.random.randint(ks[1], (2, E), 0, N, dtype=jnp.int32)
    batch = jnp.sort(jax.random.randint(ks[2], (N,), 0, B, dtype=jnp.int32))
    W1 = jax.random.normal(ks[3], (4, 16), dtype=jnp.float32) * 0.5
    b1 = jnp.zeros((16,), dtype=jnp.float32)
    W2 = jax.random.normal(ks[4], (16, 32), dtype=jnp.float32) * 0.25
    b2 = jnp.zeros((32,), dtype=jnp.float32)
    Wfc = jax.random.normal(ks[5], (32, 1), dtype=jnp.float32) * 0.18
    bfc = jnp.zeros((1,), dtype=jnp.float32)
    return {"x": x, "edge_index": edge_index, "batch": batch,
            "W1": W1, "b1": b1, "W2": W2, "b2": b2, "Wfc": Wfc, "bfc": bfc}

def _gcn_conv(x, src, dst, W, b, n):
    # add self loops
    loop = jnp.arange(n, dtype=src.dtype)
    s = jnp.concatenate([src, loop])
    d = jnp.concatenate([dst, loop])
    deg = jax.ops.segment_sum(jnp.ones(s.shape[0], dtype=x.dtype), d, num_segments=n)
    dinv = jnp.where(deg > 0, jax.lax.rsqrt(deg), 0.0)
    norm = dinv[s] * dinv[d]
    h = x @ W
    msg = h[s] * norm[:, None]
    out = jax.ops.segment_sum(msg, d, num_segments=n)
    return out + b

def reference(x, edge_index, batch, W1, b1, W2, b2, Wfc, bfc):
    n = x.shape[0]
    src, dst = edge_index[0], edge_index[1]
    h = jax.nn.relu(_gcn_conv(x, src, dst, W1, b1, n))
    h = jax.nn.relu(_gcn_conv(h, src, dst, W2, b2, n))
    # dropout is identity in eval mode (training=False)
    counts = jax.ops.segment_sum(jnp.ones((n,), dtype=h.dtype), batch, num_segments=B)
    pooled = jax.ops.segment_sum(h, batch, num_segments=B) / jnp.clip(counts, 1.0)[:, None]
    out = jax.nn.sigmoid(pooled @ Wfc + bfc)
    return out

if __name__ == "__main__":
    import jax
    _d = setup_inputs()
    print(jax.jit(kernel)(*tuple(_d.values())))

</pallas_src>

<mosaic_0001>
#map = affine_map<(d0, d1) -> (0)>
#map1 = affine_map<(d0, d1) -> (0, 0)>
module attributes {stable_mosaic.version = 14 : i64} {
  func.func @deg_kernel(%arg0: i32, %arg1: i32, %arg2: memref<3200000xi32, #tpu.memory_space<hbm>>, %arg3: memref<102400xf32, #tpu.memory_space<hbm>>, %arg4: memref<2x102400xf32, #tpu.memory_space<hbm>>, %arg5: memref<5000xi32, #tpu.memory_space<vmem>>, %arg6: memref<5000xf32, #tpu.memory_space<vmem>>, %arg7: memref<102400xf32, #tpu.memory_space<vmem_shared>>) attributes {dimension_semantics = [#tpu.dimension_semantics<core_parallel>, #tpu.dimension_semantics<subcore_parallel>], iteration_bounds = array<i64: 2, 16>, scalar_prefetch = 0 : i64, scratch_operands = 3 : i64, tpu.core_type = #tpu.core_type<sc_vector_subcore>, window_params = [{transform_indices = #map}, {transform_indices = #map}, {transform_indices = #map1}]} {
    %mul3A = arith.constant 2 : i32
    %mul3A_0 = arith.muli %arg1, %mul3A : i32
    %add3A = arith.addi %mul3A_0, %arg0 : i32
    %scan3A = arith.constant 0 : i32
    %scan3A_1 = arith.constant 313 : i32
    %scan3A_2 = arith.addi %scan3A, %scan3A_1 : i32
    %scan3A_3 = arith.constant 1 : i32
    scf.for %scan3A_21 = %scan3A to %scan3A_2 step %scan3A_3  : i32 {
      %mul3A_22 = arith.constant 16 : i32
      %mul3A_23 = arith.muli %scan3A_21, %mul3A_22 : i32
      %add3A_24 = arith.constant 0 : i32
      %add3A_25 = arith.addi %add3A_24, %mul3A_23 : i32
      %broadcast_in_dim3A = arith.constant 1.000000e+00 : f32
      %broadcast_in_dim3A_26 = vector.broadcast %broadcast_in_dim3A : f32 to vector<16xf32>
      %swap3A = arith.index_cast %add3A_25 : i32 to index
      %swap3A_27 = tpu.vector_load %arg6[%swap3A] {strides = array<i32>} : memref<5000xf32, #tpu.memory_space<vmem>>, vector<16xf32>,
      %swap3A_28 = vector.shape_cast %swap3A_27 : vector<16xf32> to vector<16xf32>
      %swap3A_29 = vector.shape_cast %broadcast_in_dim3A_26 : vector<16xf32> to vector<16xf32>
      tpu.vector_store %arg6[%swap3A], %swap3A_29 {strides = array<i32>} : memref<5000xf32, #tpu.memory_space<vmem>>, vector<16xf32>,
    }
    %scan3A_4 = arith.constant 313 : i32
    %mul3A_5 = arith.constant 6400 : i32
    %mul3A_6 = arith.muli %arg1, %mul3A_5 : i32
    %mul3A_7 = arith.constant 6400 : i32
    %mul3A_8 = arith.muli %arg1, %mul3A_7 : i32
    "tpu.region"() ({
      %run_scoped3A = tpu.sem_alloc : memref<!tpu.dma_semaphore, #tpu.memory_space<semaphore_mem>>
      %dma_start3A = tpu.memref_slice %arg7[%mul3A_8] : memref<102400xf32, #tpu.memory_space<vmem_shared>> -> memref<6400xf32, #tpu.memory_space<vmem_shared>>
      %dma_start3A_21 = tpu.memref_slice %arg3[%mul3A_6] : memref<102400xf32, #tpu.memory_space<hbm>> -> memref<6400xf32, #tpu.memory_space<hbm>>
      tpu.enqueue_dma source(%dma_start3A_21 : memref<6400xf32, #tpu.memory_space<hbm>>) target(%dma_start3A : memref<6400xf32, #tpu.memory_space<vmem_shared>>) target_semaphore(%run_scoped3A : memref<!tpu.dma_semaphore, #tpu.memory_space<semaphore_mem>>)
      %dma_wait3A = tpu.memref_slice %arg7[%mul3A_8] : memref<102400xf32, #tpu.memory_space<vmem_shared>> -> memref<6400xf32, #tpu.memory_space<vmem_shared>>
      %dma_wait3A_22 = tpu.memref_slice %arg3[%mul3A_6] : memref<102400xf32, #tpu.memory_space<hbm>> -> memref<6400xf32, #tpu.memory_space<hbm>>
      tpu.wait_dma2 semaphore(%run_scoped3A : memref<!tpu.dma_semaphore, #tpu.memory_space<semaphore_mem>>) src(%dma_wait3A_22 : memref<6400xf32, #tpu.memory_space<hbm>>) dst(%dma_wait3A : memref<6400xf32, #tpu.memory_space<vmem_shared>>)
      tpu.yield
    }) : () -> ()
    %barrier3A = arith.constant 0 : index
    tpu.barrier barrier_id(%barrier3A)
    %mul3A_9 = arith.constant 100000 : i32
    %mul3A_10 = arith.muli %add3A, %mul3A_9 : i32
    %scan3A_11 = arith.constant 0 : i32
    %scan3A_12 = arith.constant 20 : i32
    %scan3A_13 = arith.addi %scan3A_11, %scan3A_12 : i32
    %scan3A_14 = arith.constant 1 : i32
    scf.for %scan3A_21 = %scan3A_11 to %scan3A_13 step %scan3A_14  : i32 {
      %mul3A_22 = arith.constant 5000 : i32
      %mul3A_23 = arith.muli %scan3A_21, %mul3A_22 : i32
      %add3A_24 = arith.constant 0 : i32
      %add3A_25 = arith.addi %add3A_24, %mul3A_23 : i32
      %add3A_26 = arith.addi %mul3A_10, %add3A_25 : i32
      "tpu.region"() ({
        %run_scoped3A = tpu.sem_alloc : memref<!tpu.dma_semaphore, #tpu.memory_space<semaphore_mem>>
        %dma_start3A = tpu.memref_slice %arg2[%add3A_26] : memref<3200000xi32, #tpu.memory_space<hbm>> -> memref<5000xi32, #tpu.memory_space<hbm>>
        %dma_start3A_27 = tpu.memref_slice %arg2[%add3A_26] : memref<3200000xi32, #tpu.memory_space<hbm>> -> memref<5000xi32, #tpu.memory_space<hbm>>
        tpu.enqueue_dma source(%dma_start3A_27 : memref<5000xi32, #tpu.memory_space<hbm>>) target(%arg5 : memref<5000xi32, #tpu.memory_space<vmem>>) target_semaphore(%run_scoped3A : memref<!tpu.dma_semaphore, #tpu.memory_space<semaphore_mem>>)
        %dma_wait3A = tpu.memref_slice %arg2[%add3A_26] : memref<3200000xi32, #tpu.memory_space<hbm>> -> memref<5000xi32, #tpu.memory_space<hbm>>
        %dma_wait3A_28 = tpu.memref_slice %arg2[%add3A_26] : memref<3200000xi32, #tpu.memory_space<hbm>> -> memref<5000xi32, #tpu.memory_space<hbm>>
        tpu.wait_dma2 semaphore(%run_scoped3A : memref<!tpu.dma_semaphore, #tpu.memory_space<semaphore_mem>>) src(%dma_wait3A_28 : memref<5000xi32, #tpu.memory_space<hbm>>) dst(%arg5 : memref<5000xi32, #tpu.memory_space<vmem>>)
        tpu.yield
      }) : () -> ()
      "tpu.region"() ({
        %run_scoped3A = tpu.sem_alloc : memref<!tpu.dma_semaphore, #tpu.memory_space<semaphore_mem>>
        %dma_start3A = arith.constant 0 : i32
        %dma_start3A_27 = tpu.memref_slice %arg7[%dma_start3A] : memref<102400xf32, #tpu.memory_space<vmem_shared>> -> memref<102400xf32, #tpu.memory_space<vmem_shared>>
        tpu.enqueue_indirect_dma source(%arg6 : memref<5000xf32, #tpu.memory_space<vmem>>) target(%dma_start3A_27 : memref<102400xf32, #tpu.memory_space<vmem_shared>>) offsets(%arg5 : memref<5000xi32, #tpu.memory_space<vmem>>) semaphore(%run_scoped3A : memref<!tpu.dma_semaphore, #tpu.memory_space<semaphore_mem>>) {add = true}
        %dma_wait3A = arith.constant 0 : i32
        %dma_wait3A_28 = tpu.memref_slice %arg7[%dma_wait3A] : memref<102400xf32, #tpu.memory_space<vmem_shared>> -> memref<102400xf32, #tpu.memory_space<vmem_shared>>
        tpu.wait_indirect_dma semaphore(%run_scoped3A : memref<!tpu.dma_semaphore, #tpu.memory_space<semaphore_mem>>) src(%arg6 : memref<5000xf32, #tpu.memory_space<vmem>>) dst(%dma_wait3A_28 : memref<102400xf32, #tpu.memory_space<vmem_shared>>)
        tpu.yield
      }) : () -> ()
    }
    %scan3A_15 = arith.constant 20 : i32
    %barrier3A_16 = arith.constant 0 : index
    tpu.barrier barrier_id(%barrier3A_16)
    %mul3A_17 = arith.constant 6400 : i32
    %mul3A_18 = arith.muli %arg1, %mul3A_17 : i32
    %mul3A_19 = arith.constant 6400 : i32
    %mul3A_20 = arith.muli %arg1, %mul3A_19 : i32
    "tpu.region"() ({
      %run_scoped3A = tpu.sem_alloc : memref<!tpu.dma_semaphore, #tpu.memory_space<semaphore_mem>>
      %dma_start3A = tpu.memref_slice %arg4[%arg0, %mul3A_20] : memref<2x102400xf32, #tpu.memory_space<hbm>> -> memref<1x6400xf32, #tpu.memory_space<hbm>>
      %dma_start3A_21 = tpu.memref_squeeze %dma_start3A : memref<1x6400xf32, #tpu.memory_space<hbm>> -> memref<6400xf32, #tpu.memory_space<hbm>>
      %dma_start3A_22 = tpu.memref_slice %arg7[%mul3A_18] : memref<102400xf32, #tpu.memory_space<vmem_shared>> -> memref<6400xf32, #tpu.memory_space<vmem_shared>>
      tpu.enqueue_dma source(%dma_start3A_22 : memref<6400xf32, #tpu.memory_space<vmem_shared>>) target(%dma_start3A_21 : memref<6400xf32, #tpu.memory_space<hbm>>) target_semaphore(%run_scoped3A : memref<!tpu.dma_semaphore, #tpu.memory_space<semaphore_mem>>)
      %dma_wait3A = tpu.memref_slice %arg4[%arg0, %mul3A_20] : memref<2x102400xf32, #tpu.memory_space<hbm>> -> memref<1x6400xf32, #tpu.memory_space<hbm>>
      %dma_wait3A_23 = tpu.memref_squeeze %dma_wait3A : memref<1x6400xf32, #tpu.memory_space<hbm>> -> memref<6400xf32, #tpu.memory_space<hbm>>
      %dma_wait3A_24 = tpu.memref_slice %arg7[%mul3A_18] : memref<102400xf32, #tpu.memory_space<vmem_shared>> -> memref<6400xf32, #tpu.memory_space<vmem_shared>>
      tpu.wait_dma2 semaphore(%run_scoped3A : memref<!tpu.dma_semaphore, #tpu.memory_space<semaphore_mem>>) src(%dma_wait3A_24 : memref<6400xf32, #tpu.memory_space<vmem_shared>>) dst(%dma_wait3A_23 : memref<6400xf32, #tpu.memory_space<hbm>>)
      tpu.yield
    }) : () -> ()
    return
  }
}

#map = affine_map<(d0, d1) -> (0, 0)>
#map1 = affine_map<(d0, d1) -> (0)>
#map2 = affine_map<(d0, d1) -> (0, 0, 0)>
module attributes {stable_mosaic.version = 14 : i64} {
  func.func @agg_kernel(%arg0: i32, %arg1: i32, %arg2: memref<102400x8xf32, #tpu.memory_space<hbm>>, %arg3: memref<3200000xi32, #tpu.memory_space<hbm>>, %arg4: memref<3200000xi32, #tpu.memory_space<hbm>>, %arg5: memref<102400x8xf32, #tpu.memory_space<hbm>>, %arg6: memref<2x102400x8xf32, #tpu.memory_space<hbm>>, %arg7: memref<5000xi32, #tpu.memory_space<vmem>>, %arg8: memref<5000xi32, #tpu.memory_space<vmem>>, %arg9: memref<5000x8xf32, #tpu.memory_space<vmem>>, %arg10: memref<102400x8xf32, #tpu.memory_space<vmem_shared>>) attributes {dimension_semantics = [#tpu.dimension_semantics<core_parallel>, #tpu.dimension_semantics<subcore_parallel>], iteration_bounds = array<i64: 2, 16>, scalar_prefetch = 0 : i64, scratch_operands = 4 : i64, tpu.core_type = #tpu.core_type<sc_vector_subcore>, window_params = [{transform_indices = #map}, {transform_indices = #map1}, {transform_indices = #map1}, {transform_indices = #map}, {transform_indices = #map2}]} {
    %mul3A = arith.constant 2 : i32
    %mul3A_0 = arith.muli %arg1, %mul3A : i32
    %add3A = arith.addi %mul3A_0, %arg0 : i32
    %mul3A_1 = arith.constant 6400 : i32
    %mul3A_2 = arith.muli %arg1, %mul3A_1 : i32
    %mul3A_3 = arith.constant 6400 : i32
    %mul3A_4 = arith.muli %arg1, %mul3A_3 : i32
    "tpu.region"() ({
      %run_scoped3A = tpu.sem_alloc : memref<!tpu.dma_semaphore, #tpu.memory_space<semaphore_mem>>
      %dma_start3A = arith.constant 0 : i32
      %dma_start3A_16 = tpu.memref_slice %arg10[%mul3A_4, %dma_start3A] : memref<102400x8xf32, #tpu.memory_space<vmem_shared>> -> memref<6400x8xf32, #tpu.memory_space<vmem_shared>>
      %dma_start3A_17 = arith.constant 0 : i32
      %dma_start3A_18 = tpu.memref_slice %arg5[%mul3A_2, %dma_start3A_17] : memref<102400x8xf32, #tpu.memory_space<hbm>> -> memref<6400x8xf32, #tpu.memory_space<hbm>>
      tpu.enqueue_dma source(%dma_start3A_18 : memref<6400x8xf32, #tpu.memory_space<hbm>>) target(%dma_start3A_16 : memref<6400x8xf32, #tpu.memory_space<vmem_shared>>) target_semaphore(%run_scoped3A : memref<!tpu.dma_semaphore, #tpu.memory_space<semaphore_mem>>)
      %dma_wait3A = arith.constant 0 : i32
      %dma_wait3A_19 = tpu.memref_slice %arg10[%mul3A_4, %dma_wait3A] : memref<102400x8xf32, #tpu.memory_space<vmem_shared>> -> memref<6400x8xf32, #tpu.memory_space<vmem_shared>>
      %dma_wait3A_20 = arith.constant 0 : i32
      %dma_wait3A_21 = tpu.memref_slice %arg5[%mul3A_2, %dma_wait3A_20] : memref<102400x8xf32, #tpu.memory_space<hbm>> -> memref<6400x8xf32, #tpu.memory_space<hbm>>
      tpu.wait_dma2 semaphore(%run_scoped3A : memref<!tpu.dma_semaphore, #tpu.memory_space<semaphore_mem>>) src(%dma_wait3A_21 : memref<6400x8xf32, #tpu.memory_space<hbm>>) dst(%dma_wait3A_19 : memref<6400x8xf32, #tpu.memory_space<vmem_shared>>)
      tpu.yield
    }) : () -> ()
    %barrier3A = arith.constant 0 : index
    tpu.barrier barrier_id(%barrier3A)
    %mul3A_5 = arith.constant 100000 : i32
    %mul3A_6 = arith.muli %add3A, %mul3A_5 : i32
    %scan3A = arith.constant 0 : i32
    %scan3A_7 = arith.constant 20 : i32
    %scan3A_8 = arith.addi %scan3A, %scan3A_7 : i32
    %scan3A_9 = arith.constant 1 : i32
    scf.for %scan3A_16 = %scan3A to %scan3A_8 step %scan3A_9  : i32 {
      %mul3A_17 = arith.constant 5000 : i32
      %mul3A_18 = arith.muli %scan3A_16, %mul3A_17 : i32
      %add3A_19 = arith.constant 0 : i32
      %add3A_20 = arith.addi %add3A_19, %mul3A_18 : i32
      %add3A_21 = arith.addi %mul3A_6, %add3A_20 : i32
      "tpu.region"() ({
        %run_scoped3A = tpu.sem_alloc : memref<!tpu.dma_semaphore, #tpu.memory_space<semaphore_mem>>
        %dma_start3A = tpu.memref_slice %arg3[%add3A_21] : memref<3200000xi32, #tpu.memory_space<hbm>> -> memref<5000xi32, #tpu.memory_space<hbm>>
        %dma_start3A_23 = tpu.memref_slice %arg3[%add3A_21] : memref<3200000xi32, #tpu.memory_space<hbm>> -> memref<5000xi32, #tpu.memory_space<hbm>>
        tpu.enqueue_dma source(%dma_start3A_23 : memref<5000xi32, #tpu.memory_space<hbm>>) target(%arg7 : memref<5000xi32, #tpu.memory_space<vmem>>) target_semaphore(%run_scoped3A : memref<!tpu.dma_semaphore, #tpu.memory_space<semaphore_mem>>)
        %dma_wait3A = tpu.memref_slice %arg3[%add3A_21] : memref<3200000xi32, #tpu.memory_space<hbm>> -> memref<5000xi32, #tpu.memory_space<hbm>>
        %dma_wait3A_24 = tpu.memref_slice %arg3[%add3A_21] : memref<3200000xi32, #tpu.memory_space<hbm>> -> memref<5000xi32, #tpu.memory_space<hbm>>
        tpu.wait_dma2 semaphore(%run_scoped3A : memref<!tpu.dma_semaphore, #tpu.memory_space<semaphore_mem>>) src(%dma_wait3A_24 : memref<5000xi32, #tpu.memory_space<hbm>>) dst(%arg7 : memref<5000xi32, #tpu.memory_space<vmem>>)
        tpu.yield
      }) : () -> ()
      %add3A_22 = arith.addi %mul3A_6, %add3A_20 : i32
      "tpu.region"() ({
        %run_scoped3A = tpu.sem_alloc : memref<!tpu.dma_semaphore, #tpu.memory_space<semaphore_mem>>
        %dma_start3A = tpu.memref_slice %arg4[%add3A_22] : memref<3200000xi32, #tpu.memory_space<hbm>> -> memref<5000xi32, #tpu.memory_space<hbm>>
        %dma_start3A_23 = tpu.memref_slice %arg4[%add3A_22] : memref<3200000xi32, #tpu.memory_space<hbm>> -> memref<5000xi32, #tpu.memory_space<hbm>>
        tpu.enqueue_dma source(%dma_start3A_23 : memref<5000xi32, #tpu.memory_space<hbm>>) target(%arg8 : memref<5000xi32, #tpu.memory_space<vmem>>) target_semaphore(%run_scoped3A : memref<!tpu.dma_semaphore, #tpu.memory_space<semaphore_mem>>)
        %dma_wait3A = tpu.memref_slice %arg4[%add3A_22] : memref<3200000xi32, #tpu.memory_space<hbm>> -> memref<5000xi32, #tpu.memory_space<hbm>>
        %dma_wait3A_24 = tpu.memref_slice %arg4[%add3A_22] : memref<3200000xi32, #tpu.memory_space<hbm>> -> memref<5000xi32, #tpu.memory_space<hbm>>
        tpu.wait_dma2 semaphore(%run_scoped3A : memref<!tpu.dma_semaphore, #tpu.memory_space<semaphore_mem>>) src(%dma_wait3A_24 : memref<5000xi32, #tpu.memory_space<hbm>>) dst(%arg8 : memref<5000xi32, #tpu.memory_space<vmem>>)
        tpu.yield
      }) : () -> ()
      "tpu.region"() ({
        %run_scoped3A = tpu.sem_alloc : memref<!tpu.dma_semaphore, #tpu.memory_space<semaphore_mem>>
        %dma_start3A = arith.constant 0 : i32
        %dma_start3A_23 = arith.constant 0 : i32
        %dma_start3A_24 = tpu.memref_slice %arg2[%dma_start3A, %dma_start3A_23] : memref<102400x8xf32, #tpu.memory_space<hbm>> -> memref<102400x8xf32, #tpu.memory_space<hbm>>
        tpu.enqueue_indirect_dma source(%dma_start3A_24 : memref<102400x8xf32, #tpu.memory_space<hbm>>) target(%arg9 : memref<5000x8xf32, #tpu.memory_space<vmem>>) offsets(%arg7 : memref<5000xi32, #tpu.memory_space<vmem>>) semaphore(%run_scoped3A : memref<!tpu.dma_semaphore, #tpu.memory_space<semaphore_mem>>)
        %dma_wait3A = arith.constant 0 : i32
        %dma_wait3A_25 = arith.constant 0 : i32
        %dma_wait3A_26 = tpu.memref_slice %arg2[%dma_wait3A, %dma_wait3A_25] : memref<102400x8xf32, #tpu.memory_space<hbm>> -> memref<102400x8xf32, #tpu.memory_space<hbm>>
        tpu.wait_indirect_dma semaphore(%run_scoped3A : memref<!tpu.dma_semaphore, #tpu.memory_space<semaphore_mem>>) src(%dma_wait3A_26 : memref<102400x8xf32, #tpu.memory_space<hbm>>) dst(%arg9 : memref<5000x8xf32, #tpu.memory_space<vmem>>)
        tpu.yield
      }) : () -> ()
      "tpu.region"() ({
        %run_scoped3A = tpu.sem_alloc : memref<!tpu.dma_semaphore, #tpu.memory_space<semaphore_mem>>
        %dma_start3A = arith.constant 0 : i32
        %dma_start3A_23 = arith.constant 0 : i32
        %dma_start3A_24 = tpu.memref_slice %arg10[%dma_start3A, %dma_start3A_23] : memref<102400x8xf32, #tpu.memory_space<vmem_shared>> -> memref<102400x8xf32, #tpu.memory_space<vmem_shared>>
        tpu.enqueue_indirect_dma source(%arg9 : memref<5000x8xf32, #tpu.memory_space<vmem>>) target(%dma_start3A_24 : memref<102400x8xf32, #tpu.memory_space<vmem_shared>>) offsets(%arg8 : memref<5000xi32, #tpu.memory_space<vmem>>) semaphore(%run_scoped3A : memref<!tpu.dma_semaphore, #tpu.memory_space<semaphore_mem>>) {add = true}
        %dma_wait3A = arith.constant 0 : i32
        %dma_wait3A_25 = arith.constant 0 : i32
        %dma_wait3A_26 = tpu.memref_slice %arg10[%dma_wait3A, %dma_wait3A_25] : memref<102400x8xf32, #tpu.memory_space<vmem_shared>> -> memref<102400x8xf32, #tpu.memory_space<vmem_shared>>
        tpu.wait_indirect_dma semaphore(%run_scoped3A : memref<!tpu.dma_semaphore, #tpu.memory_space<semaphore_mem>>) src(%arg9 : memref<5000x8xf32, #tpu.memory_space<vmem>>) dst(%dma_wait3A_26 : memref<102400x8xf32, #tpu.memory_space<vmem_shared>>)
        tpu.yield
      }) : () -> ()
    }
    %scan3A_10 = arith.constant 20 : i32
    %barrier3A_11 = arith.constant 0 : index
    tpu.barrier barrier_id(%barrier3A_11)
    %mul3A_12 = arith.constant 6400 : i32
    %mul3A_13 = arith.muli %arg1, %mul3A_12 : i32
    %mul3A_14 = arith.constant 6400 : i32
    %mul3A_15 = arith.muli %arg1, %mul3A_14 : i32
    "tpu.region"() ({
      %run_scoped3A = tpu.sem_alloc : memref<!tpu.dma_semaphore, #tpu.memory_space<semaphore_mem>>
      %dma_start3A = arith.constant 0 : i32
      %dma_start3A_16 = tpu.memref_slice %arg6[%arg0, %mul3A_15, %dma_start3A] : memref<2x102400x8xf32, #tpu.memory_space<hbm>> -> memref<1x6400x8xf32, #tpu.memory_space<hbm>>
      %dma_start3A_17 = tpu.memref_squeeze %dma_start3A_16 : memref<1x6400x8xf32, #tpu.memory_space<hbm>> -> memref<6400x8xf32, #tpu.memory_space<hbm>>
      %dma_start3A_18 = arith.constant 0 : i32
      %dma_start3A_19 = tpu.memref_slice %arg10[%mul3A_13, %dma_start3A_18] : memref<102400x8xf32, #tpu.memory_space<vmem_shared>> -> memref<6400x8xf32, #tpu.memory_space<vmem_shared>>
      tpu.enqueue_dma source(%dma_start3A_19 : memref<6400x8xf32, #tpu.memory_space<vmem_shared>>) target(%dma_start3A_17 : memref<6400x8xf32, #tpu.memory_space<hbm>>) target_semaphore(%run_scoped3A : memref<!tpu.dma_semaphore, #tpu.memory_space<semaphore_mem>>)
      %dma_wait3A = arith.constant 0 : i32
      %dma_wait3A_20 = tpu.memref_slice %arg6[%arg0, %mul3A_15, %dma_wait3A] : memref<2x102400x8xf32, #tpu.memory_space<hbm>> -> memref<1x6400x8xf32, #tpu.memory_space<hbm>>
      %dma_wait3A_21 = tpu.memref_squeeze %dma_wait3A_20 : memref<1x6400x8xf32, #tpu.memory_space<hbm>> -> memref<6400x8xf32, #tpu.memory_space<hbm>>
      %dma_wait3A_22 = arith.constant 0 : i32
      %dma_wait3A_23 = tpu.memref_slice %arg10[%mul3A_13, %dma_wait3A_22] : memref<102400x8xf32, #tpu.memory_space<vmem_shared>> -> memref<6400x8xf32, #tpu.memory_space<vmem_shared>>
      tpu.wait_dma2 semaphore(%run_scoped3A : memref<!tpu.dma_semaphore, #tpu.memory_space<semaphore_mem>>) src(%dma_wait3A_23 : memref<6400x8xf32, #tpu.memory_space<vmem_shared>>) dst(%dma_wait3A_21 : memref<6400x8xf32, #tpu.memory_space<hbm>>)
      tpu.yield
    }) : () -> ()
    return
  }
}

#map = affine_map<(d0, d1) -> (0, 0)>
#map1 = affine_map<(d0, d1) -> (0)>
#map2 = affine_map<(d0, d1) -> (0, 0, 0)>
module attributes {stable_mosaic.version = 14 : i64} {
  func.func @agg_kernel(%arg0: i32, %arg1: i32, %arg2: memref<102400x8xf32, #tpu.memory_space<hbm>>, %arg3: memref<102400x8xf32, #tpu.memory_space<hbm>>, %arg4: memref<3200000xi32, #tpu.memory_space<hbm>>, %arg5: memref<3200000xi32, #tpu.memory_space<hbm>>, %arg6: memref<102400x8xf32, #tpu.memory_space<hbm>>, %arg7: memref<2x102400x8xf32, #tpu.memory_space<hbm>>, %arg8: memref<5000xi32, #tpu.memory_space<vmem>>, %arg9: memref<5000xi32, #tpu.memory_space<vmem>>, %arg10: memref<5000x8xf32, #tpu.memory_space<vmem>>, %arg11: memref<102400x8xf32, #tpu.memory_space<vmem_shared>>) attributes {dimension_semantics = [#tpu.dimension_semantics<core_parallel>, #tpu.dimension_semantics<subcore_parallel>], iteration_bounds = array<i64: 2, 16>, scalar_prefetch = 0 : i64, scratch_operands = 4 : i64, tpu.core_type = #tpu.core_type<sc_vector_subcore>, window_params = [{transform_indices = #map}, {transform_indices = #map}, {transform_indices = #map1}, {transform_indices = #map1}, {transform_indices = #map}, {transform_indices = #map2}]} {
    %mul3A = arith.constant 6400 : i32
    %mul3A_0 = arith.muli %arg1, %mul3A : i32
    %mul3A_1 = arith.constant 6400 : i32
    %mul3A_2 = arith.muli %arg1, %mul3A_1 : i32
    "tpu.region"() ({
      %run_scoped3A = tpu.sem_alloc : memref<!tpu.dma_semaphore, #tpu.memory_space<semaphore_mem>>
      %dma_start3A = arith.constant 0 : i32
      %dma_start3A_17 = tpu.memref_slice %arg11[%mul3A_2, %dma_start3A] : memref<102400x8xf32, #tpu.memory_space<vmem_shared>> -> memref<6400x8xf32, #tpu.memory_space<vmem_shared>>
      %dma_start3A_18 = arith.constant 0 : i32
      %dma_start3A_19 = tpu.memref_slice %arg6[%mul3A_0, %dma_start3A_18] : memref<102400x8xf32, #tpu.memory_space<hbm>> -> memref<6400x8xf32, #tpu.memory_space<hbm>>
      tpu.enqueue_dma source(%dma_start3A_19 : memref<6400x8xf32, #tpu.memory_space<hbm>>) target(%dma_start3A_17 : memref<6400x8xf32, #tpu.memory_space<vmem_shared>>) target_semaphore(%run_scoped3A : memref<!tpu.dma_semaphore, #tpu.memory_space<semaphore_mem>>)
      %dma_wait3A = arith.constant 0 : i32
      %dma_wait3A_20 = tpu.memref_slice %arg11[%mul3A_2, %dma_wait3A] : memref<102400x8xf32, #tpu.memory_space<vmem_shared>> -> memref<6400x8xf32, #tpu.memory_space<vmem_shared>>
      %dma_wait3A_21 = arith.constant 0 : i32
      %dma_wait3A_22 = tpu.memref_slice %arg6[%mul3A_0, %dma_wait3A_21] : memref<102400x8xf32, #tpu.memory_space<hbm>> -> memref<6400x8xf32, #tpu.memory_space<hbm>>
      tpu.wait_dma2 semaphore(%run_scoped3A : memref<!tpu.dma_semaphore, #tpu.memory_space<semaphore_mem>>) src(%dma_wait3A_22 : memref<6400x8xf32, #tpu.memory_space<hbm>>) dst(%dma_wait3A_20 : memref<6400x8xf32, #tpu.memory_space<vmem_shared>>)
      tpu.yield
    }) : () -> ()
    %barrier3A = arith.constant 0 : index
    tpu.barrier barrier_id(%barrier3A)
    %mul3A_3 = arith.constant 200000 : i32
    %mul3A_4 = arith.muli %arg1, %mul3A_3 : i32
    %eq3A = arith.constant 0 : i32
    %eq3A_5 = arith.cmpi eq, %arg0, %eq3A : i32
    %convert_element_type3A = arith.extui %eq3A_5 : i1 to i32
    %cond3A = arith.constant 0 : i32
    %cond3A_6 = arith.cmpi ne, %convert_element_type3A, %cond3A : i32
    scf.if %cond3A_6 {
      %scan3A = arith.constant 0 : i32
      %scan3A_17 = arith.constant 40 : i32
      %scan3A_18 = arith.addi %scan3A, %scan3A_17 : i32
      %scan3A_19 = arith.constant 1 : i32
      scf.for %scan3A_21 = %scan3A to %scan3A_18 step %scan3A_19  : i32 {
        %mul3A_22 = arith.constant 5000 : i32
        %mul3A_23 = arith.muli %scan3A_21, %mul3A_22 : i32
        %add3A = arith.constant 0 : i32
        %add3A_24 = arith.addi %add3A, %mul3A_23 : i32
        %add3A_25 = arith.addi %mul3A_4, %add3A_24 : i32
        "tpu.region"() ({
          %run_scoped3A = tpu.sem_alloc : memref<!tpu.dma_semaphore, #tpu.memory_space<semaphore_mem>>
          %dma_start3A = tpu.memref_slice %arg4[%add3A_25] : memref<3200000xi32, #tpu.memory_space<hbm>> -> memref<5000xi32, #tpu.memory_space<hbm>>
          %dma_start3A_27 = tpu.memref_slice %arg4[%add3A_25] : memref<3200000xi32, #tpu.memory_space<hbm>> -> memref<5000xi32, #tpu.memory_space<hbm>>
          tpu.enqueue_dma source(%dma_start3A_27 : memref<5000xi32, #tpu.memory_space<hbm>>) target(%arg8 : memref<5000xi32, #tpu.memory_space<vmem>>) target_semaphore(%run_scoped3A : memref<!tpu.dma_semaphore, #tpu.memory_space<semaphore_mem>>)
          %dma_wait3A = tpu.memref_slice %arg4[%add3A_25] : memref<3200000xi32, #tpu.memory_space<hbm>> -> memref<5000xi32, #tpu.memory_space<hbm>>
          %dma_wait3A_28 = tpu.memref_slice %arg4[%add3A_25] : memref<3200000xi32, #tpu.memory_space<hbm>> -> memref<5000xi32, #tpu.memory_space<hbm>>
          tpu.wait_dma2 semaphore(%run_scoped3A : memref<!tpu.dma_semaphore, #tpu.memory_space<semaphore_mem>>) src(%dma_wait3A_28 : memref<5000xi32, #tpu.memory_space<hbm>>) dst(%arg8 : memref<5000xi32, #tpu.memory_space<vmem>>)
          tpu.yield
        }) : () -> ()
        %add3A_26 = arith.addi %mul3A_4, %add3A_24 : i32
        "tpu.region"() ({
          %run_scoped3A = tpu.sem_alloc : memref<!tpu.dma_semaphore, #tpu.memory_space<semaphore_mem>>
          %dma_start3A = tpu.memref_slice %arg5[%add3A_26] : memref<3200000xi32, #tpu.memory_space<hbm>> -> memref<5000xi32, #tpu.memory_space<hbm>>
          %dma_start3A_27 = tpu.memref_slice %arg5[%add3A_26] : memref<3200000xi32, #tpu.memory_space<hbm>> -> memref<5000xi32, #tpu.memory_space<hbm>>
          tpu.enqueue_dma source(%dma_start3A_27 : memref<5000xi32, #tpu.memory_space<hbm>>) target(%arg9 : memref<5000xi32, #tpu.memory_space<vmem>>) target_semaphore(%run_scoped3A : memref<!tpu.dma_semaphore, #tpu.memory_space<semaphore_mem>>)
          %dma_wait3A = tpu.memref_slice %arg5[%add3A_26] : memref<3200000xi32, #tpu.memory_space<hbm>> -> memref<5000xi32, #tpu.memory_space<hbm>>
          %dma_wait3A_28 = tpu.memref_slice %arg5[%add3A_26] : memref<3200000xi32, #tpu.memory_space<hbm>> -> memref<5000xi32, #tpu.memory_space<hbm>>
          tpu.wait_dma2 semaphore(%run_scoped3A : memref<!tpu.dma_semaphore, #tpu.memory_space<semaphore_mem>>) src(%dma_wait3A_28 : memref<5000xi32, #tpu.memory_space<hbm>>) dst(%arg9 : memref<5000xi32, #tpu.memory_space<vmem>>)
          tpu.yield
        }) : () -> ()
        "tpu.region"() ({
          %run_scoped3A = tpu.sem_alloc : memref<!tpu.dma_semaphore, #tpu.memory_space<semaphore_mem>>
          %dma_start3A = arith.constant 0 : i32
          %dma_start3A_27 = arith.constant 0 : i32
          %dma_start3A_28 = tpu.memref_slice %arg2[%dma_start3A, %dma_start3A_27] : memref<102400x8xf32, #tpu.memory_space<hbm>> -> memref<102400x8xf32, #tpu.memory_space<hbm>>
          tpu.enqueue_indirect_dma source(%dma_start3A_28 : memref<102400x8xf32, #tpu.memory_space<hbm>>) target(%arg10 : memref<5000x8xf32, #tpu.memory_space<vmem>>) offsets(%arg8 : memref<5000xi32, #tpu.memory_space<vmem>>) semaphore(%run_scoped3A : memref<!tpu.dma_semaphore, #tpu.memory_space<semaphore_mem>>)
          %dma_wait3A = arith.constant 0 : i32
          %dma_wait3A_29 = arith.constant 0 : i32
          %dma_wait3A_30 = tpu.memref_slice %arg2[%dma_wait3A, %dma_wait3A_29] : memref<102400x8xf32, #tpu.memory_space<hbm>> -> memref<102400x8xf32, #tpu.memory_space<hbm>>
          tpu.wait_indirect_dma semaphore(%run_scoped3A : memref<!tpu.dma_semaphore, #tpu.memory_space<semaphore_mem>>) src(%dma_wait3A_30 : memref<102400x8xf32, #tpu.memory_space<hbm>>) dst(%arg10 : memref<5000x8xf32, #tpu.memory_space<vmem>>)
          tpu.yield
        }) : () -> ()
        "tpu.region"() ({
          %run_scoped3A = tpu.sem_alloc : memref<!tpu.dma_semaphore, #tpu.memory_space<semaphore_mem>>
          %dma_start3A = arith.constant 0 : i32
          %dma_start3A_27 = arith.constant 0 : i32
          %dma_start3A_28 = tpu.memref_slice %arg11[%dma_start3A, %dma_start3A_27] : memref<102400x8xf32, #tpu.memory_space<vmem_shared>> -> memref<102400x8xf32, #tpu.memory_space<vmem_shared>>
          tpu.enqueue_indirect_dma source(%arg10 : memref<5000x8xf32, #tpu.memory_space<vmem>>) target(%dma_start3A_28 : memref<102400x8xf32, #tpu.memory_space<vmem_shared>>) offsets(%arg9 : memref<5000xi32, #tpu.memory_space<vmem>>) semaphore(%run_scoped3A : memref<!tpu.dma_semaphore, #tpu.memory_space<semaphore_mem>>) {add = true}
          %dma_wait3A = arith.constant 0 : i32
          %dma_wait3A_29 = arith.constant 0 : i32
          %dma_wait3A_30 = tpu.memref_slice %arg11[%dma_wait3A, %dma_wait3A_29] : memref<102400x8xf32, #tpu.memory_space<vmem_shared>> -> memref<102400x8xf32, #tpu.memory_space<vmem_shared>>
          tpu.wait_indirect_dma semaphore(%run_scoped3A : memref<!tpu.dma_semaphore, #tpu.memory_space<semaphore_mem>>) src(%arg10 : memref<5000x8xf32, #tpu.memory_space<vmem>>) dst(%dma_wait3A_30 : memref<102400x8xf32, #tpu.memory_space<vmem_shared>>)
          tpu.yield
        }) : () -> ()
      }
      %scan3A_20 = arith.constant 40 : i32
    } else {
    }
    %eq3A_7 = arith.constant 1 : i32
    %eq3A_8 = arith.cmpi eq, %arg0, %eq3A_7 : i32
    %convert_element_type3A_9 = arith.extui %eq3A_8 : i1 to i32
    %cond3A_10 = arith.constant 0 : i32
    %cond3A_11 = arith.cmpi ne, %convert_element_type3A_9, %cond3A_10 : i32
    scf.if %cond3A_11 {
      %scan3A = arith.constant 0 : i32
      %scan3A_17 = arith.constant 40 : i32
      %scan3A_18 = arith.addi %scan3A, %scan3A_17 : i32
      %scan3A_19 = arith.constant 1 : i32
      scf.for %scan3A_21 = %scan3A to %scan3A_18 step %scan3A_19  : i32 {
        %mul3A_22 = arith.constant 5000 : i32
        %mul3A_23 = arith.muli %scan3A_21, %mul3A_22 : i32
        %add3A = arith.constant 0 : i32
        %add3A_24 = arith.addi %add3A, %mul3A_23 : i32
        %add3A_25 = arith.addi %mul3A_4, %add3A_24 : i32
        "tpu.region"() ({
          %run_scoped3A = tpu.sem_alloc : memref<!tpu.dma_semaphore, #tpu.memory_space<semaphore_mem>>
          %dma_start3A = tpu.memref_slice %arg4[%add3A_25] : memref<3200000xi32, #tpu.memory_space<hbm>> -> memref<5000xi32, #tpu.memory_space<hbm>>
          %dma_start3A_27 = tpu.memref_slice %arg4[%add3A_25] : memref<3200000xi32, #tpu.memory_space<hbm>> -> memref<5000xi32, #tpu.memory_space<hbm>>
          tpu.enqueue_dma source(%dma_start3A_27 : memref<5000xi32, #tpu.memory_space<hbm>>) target(%arg8 : memref<5000xi32, #tpu.memory_space<vmem>>) target_semaphore(%run_scoped3A : memref<!tpu.dma_semaphore, #tpu.memory_space<semaphore_mem>>)
          %dma_wait3A = tpu.memref_slice %arg4[%add3A_25] : memref<3200000xi32, #tpu.memory_space<hbm>> -> memref<5000xi32, #tpu.memory_space<hbm>>
          %dma_wait3A_28 = tpu.memref_slice %arg4[%add3A_25] : memref<3200000xi32, #tpu.memory_space<hbm>> -> memref<5000xi32, #tpu.memory_space<hbm>>
          tpu.wait_dma2 semaphore(%run_scoped3A : memref<!tpu.dma_semaphore, #tpu.memory_space<semaphore_mem>>) src(%dma_wait3A_28 : memref<5000xi32, #tpu.memory_space<hbm>>) dst(%arg8 : memref<5000xi32, #tpu.memory_space<vmem>>)
          tpu.yield
        }) : () -> ()
        %add3A_26 = arith.addi %mul3A_4, %add3A_24 : i32
        "tpu.region"() ({
          %run_scoped3A = tpu.sem_alloc : memref<!tpu.dma_semaphore, #tpu.memory_space<semaphore_mem>>
          %dma_start3A = tpu.memref_slice %arg5[%add3A_26] : memref<3200000xi32, #tpu.memory_space<hbm>> -> memref<5000xi32, #tpu.memory_space<hbm>>
          %dma_start3A_27 = tpu.memref_slice %arg5[%add3A_26] : memref<3200000xi32, #tpu.memory_space<hbm>> -> memref<5000xi32, #tpu.memory_space<hbm>>
          tpu.enqueue_dma source(%dma_start3A_27 : memref<5000xi32, #tpu.memory_space<hbm>>) target(%arg9 : memref<5000xi32, #tpu.memory_space<vmem>>) target_semaphore(%run_scoped3A : memref<!tpu.dma_semaphore, #tpu.memory_space<semaphore_mem>>)
          %dma_wait3A = tpu.memref_slice %arg5[%add3A_26] : memref<3200000xi32, #tpu.memory_space<hbm>> -> memref<5000xi32, #tpu.memory_space<hbm>>
          %dma_wait3A_28 = tpu.memref_slice %arg5[%add3A_26] : memref<3200000xi32, #tpu.memory_space<hbm>> -> memref<5000xi32, #tpu.memory_space<hbm>>
          tpu.wait_dma2 semaphore(%run_scoped3A : memref<!tpu.dma_semaphore, #tpu.memory_space<semaphore_mem>>) src(%dma_wait3A_28 : memref<5000xi32, #tpu.memory_space<hbm>>) dst(%arg9 : memref<5000xi32, #tpu.memory_space<vmem>>)
          tpu.yield
        }) : () -> ()
        "tpu.region"() ({
          %run_scoped3A = tpu.sem_alloc : memref<!tpu.dma_semaphore, #tpu.memory_space<semaphore_mem>>
          %dma_start3A = arith.constant 0 : i32
          %dma_start3A_27 = arith.constant 0 : i32
          %dma_start3A_28 = tpu.memref_slice %arg3[%dma_start3A, %dma_start3A_27] : memref<102400x8xf32, #tpu.memory_space<hbm>> -> memref<102400x8xf32, #tpu.memory_space<hbm>>
          tpu.enqueue_indirect_dma source(%dma_start3A_28 : memref<102400x8xf32, #tpu.memory_space<hbm>>) target(%arg10 : memref<5000x8xf32, #tpu.memory_space<vmem>>) offsets(%arg8 : memref<5000xi32, #tpu.memory_space<vmem>>) semaphore(%run_scoped3A : memref<!tpu.dma_semaphore, #tpu.memory_space<semaphore_mem>>)
          %dma_wait3A = arith.constant 0 : i32
          %dma_wait3A_29 = arith.constant 0 : i32
          %dma_wait3A_30 = tpu.memref_slice %arg3[%dma_wait3A, %dma_wait3A_29] : memref<102400x8xf32, #tpu.memory_space<hbm>> -> memref<102400x8xf32, #tpu.memory_space<hbm>>
          tpu.wait_indirect_dma semaphore(%run_scoped3A : memref<!tpu.dma_semaphore, #tpu.memory_space<semaphore_mem>>) src(%dma_wait3A_30 : memref<102400x8xf32, #tpu.memory_space<hbm>>) dst(%arg10 : memref<5000x8xf32, #tpu.memory_space<vmem>>)
          tpu.yield
        }) : () -> ()
        "tpu.region"() ({
          %run_scoped3A = tpu.sem_alloc : memref<!tpu.dma_semaphore, #tpu.memory_space<semaphore_mem>>
          %dma_start3A = arith.constant 0 : i32
          %dma_start3A_27 = arith.constant 0 : i32
          %dma_start3A_28 = tpu.memref_slice %arg11[%dma_start3A, %dma_start3A_27] : memref<102400x8xf32, #tpu.memory_space<vmem_shared>> -> memref<102400x8xf32, #tpu.memory_space<vmem_shared>>
          tpu.enqueue_indirect_dma source(%arg10 : memref<5000x8xf32, #tpu.memory_space<vmem>>) target(%dma_start3A_28 : memref<102400x8xf32, #tpu.memory_space<vmem_shared>>) offsets(%arg9 : memref<5000xi32, #tpu.memory_space<vmem>>) semaphore(%run_scoped3A : memref<!tpu.dma_semaphore, #tpu.memory_space<semaphore_mem>>) {add = true}
          %dma_wait3A = arith.constant 0 : i32
          %dma_wait3A_29 = arith.constant 0 : i32
          %dma_wait3A_30 = tpu.memref_slice %arg11[%dma_wait3A, %dma_wait3A_29] : memref<102400x8xf32, #tpu.memory_space<vmem_shared>> -> memref<102400x8xf32, #tpu.memory_space<vmem_shared>>
          tpu.wait_indirect_dma semaphore(%run_scoped3A : memref<!tpu.dma_semaphore, #tpu.memory_space<semaphore_mem>>) src(%arg10 : memref<5000x8xf32, #tpu.memory_space<vmem>>) dst(%dma_wait3A_30 : memref<102400x8xf32, #tpu.memory_space<vmem_shared>>)
          tpu.yield
        }) : () -> ()
      }
      %scan3A_20 = arith.constant 40 : i32
    } else {
    }
    %barrier3A_12 = arith.constant 0 : index
    tpu.barrier barrier_id(%barrier3A_12)
    %mul3A_13 = arith.constant 6400 : i32
    %mul3A_14 = arith.muli %arg1, %mul3A_13 : i32
    %mul3A_15 = arith.constant 6400 : i32
    %mul3A_16 = arith.muli %arg1, %mul3A_15 : i32
    "tpu.region"() ({
      %run_scoped3A = tpu.sem_alloc : memref<!tpu.dma_semaphore, #tpu.memory_space<semaphore_mem>>
      %dma_start3A = arith.constant 0 : i32
      %dma_start3A_17 = tpu.memref_slice %arg7[%arg0, %mul3A_16, %dma_start3A] : memref<2x102400x8xf32, #tpu.memory_space<hbm>> -> memref<1x6400x8xf32, #tpu.memory_space<hbm>>
      %dma_start3A_18 = tpu.memref_squeeze %dma_start3A_17 : memref<1x6400x8xf32, #tpu.memory_space<hbm>> -> memref<6400x8xf32, #tpu.memory_space<hbm>>
      %dma_start3A_19 = arith.constant 0 : i32
      %dma_start3A_20 = tpu.memref_slice %arg11[%mul3A_14, %dma_start3A_19] : memref<102400x8xf32, #tpu.memory_space<vmem_shared>> -> memref<6400x8xf32, #tpu.memory_space<vmem_shared>>
      tpu.enqueue_dma source(%dma_start3A_20 : memref<6400x8xf32, #tpu.memory_space<vmem_shared>>) target(%dma_start3A_18 : memref<6400x8xf32, #tpu.memory_space<hbm>>) target_semaphore(%run_scoped3A : memref<!tpu.dma_semaphore, #tpu.memory_space<semaphore_mem>>)
      %dma_wait3A = arith.constant 0 : i32
      %dma_wait3A_21 = tpu.memref_slice %arg7[%arg0, %mul3A_16, %dma_wait3A] : memref<2x102400x8xf32, #tpu.memory_space<hbm>> -> memref<1x6400x8xf32, #tpu.memory_space<hbm>>
      %dma_wait3A_22 = tpu.memref_squeeze %dma_wait3A_21 : memref<1x6400x8xf32, #tpu.memory_space<hbm>> -> memref<6400x8xf32, #tpu.memory_space<hbm>>
      %dma_wait3A_23 = arith.constant 0 : i32
      %dma_wait3A_24 = tpu.memref_slice %arg11[%mul3A_14, %dma_wait3A_23] : memref<102400x8xf32, #tpu.memory_space<vmem_shared>> -> memref<6400x8xf32, #tpu.memory_space<vmem_shared>>
      tpu.wait_dma2 semaphore(%run_scoped3A : memref<!tpu.dma_semaphore, #tpu.memory_space<semaphore_mem>>) src(%dma_wait3A_24 : memref<6400x8xf32, #tpu.memory_space<vmem_shared>>) dst(%dma_wait3A_22 : memref<6400x8xf32, #tpu.memory_space<hbm>>)
      tpu.yield
    }) : () -> ()
    return
  }
}

module attributes {stable_mosaic.version = 14 : i64} {
  func.func @body(%arg0: i32, %arg1: memref<32x128xf32, #tpu.memory_space<vmem>>, %arg2: memref<32x128xf32, #tpu.memory_space<vmem>>, %arg3: memref<256x128xf32, #tpu.memory_space<vmem>>, %arg4: memref<256x128xf32, #tpu.memory_space<vmem>>, %arg5: memref<256x128xf32, #tpu.memory_space<vmem>>) attributes {dimension_semantics = [#tpu.dimension_semantics<arbitrary>], iteration_bounds = array<i64: 25>, scalar_prefetch = 0 : i64, scratch_operands = 0 : i64, tpu.core_type = #tpu.core_type<tc>, window_params = [{transform_indices = @transform_0, window_bounds = array<i64: 32, 128>}, {transform_indices = @transform_1, window_bounds = array<i64: 32, 128>}, {transform_indices = @transform_2, window_bounds = array<i64: 256, 128>}, {transform_indices = @transform_3, window_bounds = array<i64: 256, 128>}, {transform_indices = @transform_4, window_bounds = array<i64: 256, 128>}]} {
    %get3A = arith.constant 0 : index
    %get3A_0 = arith.constant 0 : index
    %get3A_1 = vector.load %arg1[%get3A, %get3A_0] : memref<32x128xf32, #tpu.memory_space<vmem>>, vector<32x128xf32>
    %get3A_2 = arith.constant 0 : index
    %get3A_3 = arith.constant 0 : index
    %get3A_4 = vector.load %arg2[%get3A_2, %get3A_3] : memref<32x128xf32, #tpu.memory_space<vmem>>, vector<32x128xf32>
    %add3A = arith.addf %get3A_1, %get3A_4 : vector<32x128xf32>
    %add3A_5 = arith.constant 1.000000e+00 : f32
    %add3A_6 = vector.broadcast %add3A_5 : f32 to vector<32x128xf32>
    %add3A_7 = arith.addf %add3A, %add3A_6 : vector<32x128xf32>
    %rsqrt3A = math.rsqrt %add3A_7 : vector<32x128xf32>
    %mul3A = arith.constant 5.000000e-01 : f32
    %mul3A_8 = vector.broadcast %mul3A : f32 to vector<32x128xf32>
    %mul3A_9 = arith.mulf %mul3A_8, %add3A_7 : vector<32x128xf32>
    %mul3A_10 = arith.mulf %mul3A_9, %rsqrt3A : vector<32x128xf32>
    %mul3A_11 = arith.mulf %mul3A_10, %rsqrt3A : vector<32x128xf32>
    %sub3A = arith.constant 1.500000e+00 : f32
    %sub3A_12 = vector.broadcast %sub3A : f32 to vector<32x128xf32>
    %sub3A_13 = arith.subf %sub3A_12, %mul3A_11 : vector<32x128xf32>
    %mul3A_14 = arith.mulf %rsqrt3A, %sub3A_13 : vector<32x128xf32>
    %iota3A = tpu.iota {dimensions = array<i32: 1>} : vector<128x128xi32>
    %iota3A_15 = tpu.iota {dimensions = array<i32: 0>} : vector<128x128xi32>
    %jit3A = arith.constant 8 : i32
    %div3A = vector.broadcast %jit3A : i32 to vector<128x128xi32>
    %div3A_16 = arith.divsi %iota3A, %div3A : vector<128x128xi32>
    %sign3A = arith.constant 0 : i32
    %sign3A_17 = vector.broadcast %sign3A : i32 to vector<128x128xi32>
    %sign3A_18 = arith.cmpi sgt, %iota3A, %sign3A_17 : vector<128x128xi32>
    %sign3A_19 = arith.extui %sign3A_18 : vector<128x128xi1> to vector<128x128xi32>
    %sign3A_20 = arith.constant 0 : i32
    %sign3A_21 = vector.broadcast %sign3A_20 : i32 to vector<128x128xi32>
    %sign3A_22 = arith.cmpi slt, %iota3A, %sign3A_21 : vector<128x128xi32>
    %sign3A_23 = arith.extui %sign3A_22 : vector<128x128xi1> to vector<128x128xi32>
    %sign3A_24 = arith.subi %sign3A_19, %sign3A_23 : vector<128x128xi32>
    %sign3A_25 = arith.constant 0 : i32
    %sign3A_26 = arith.cmpi sgt, %jit3A, %sign3A_25 : i32
    %sign3A_27 = arith.extui %sign3A_26 : i1 to i32
    %sign3A_28 = arith.constant 0 : i32
    %sign3A_29 = arith.cmpi slt, %jit3A, %sign3A_28 : i32
    %sign3A_30 = arith.extui %sign3A_29 : i1 to i32
    %sign3A_31 = arith.subi %sign3A_27, %sign3A_30 : i32
    %ne3A = vector.broadcast %sign3A_31 : i32 to vector<128x128xi32>
    %ne3A_32 = arith.cmpi ne, %sign3A_24, %ne3A : vector<128x128xi32>
    %rem3A = vector.broadcast %jit3A : i32 to vector<128x128xi32>
    %rem3A_33 = arith.remsi %iota3A, %rem3A : vector<128x128xi32>
    %ne3A_34 = arith.constant 0 : i32
    %ne3A_35 = vector.broadcast %ne3A_34 : i32 to vector<128x128xi32>
    %ne3A_36 = arith.cmpi ne, %rem3A_33, %ne3A_35 : vector<128x128xi32>
    %and3A = arith.andi %ne3A_32, %ne3A_36 : vector<128x128xi1>
    %sub3A_37 = arith.constant 1 : i32
    %sub3A_38 = vector.broadcast %sub3A_37 : i32 to vector<128x128xi32>
    %sub3A_39 = arith.subi %div3A_16, %sub3A_38 : vector<128x128xi32>
    %select_n3A = arith.select %and3A, %sub3A_39, %div3A_16 : vector<128x128xi1>, vector<128x128xi32>
    %add3A_40 = arith.constant 0 : i32
    %add3A_41 = vector.broadcast %add3A_40 : i32 to vector<128x128xi32>
    %add3A_42 = arith.addi %add3A_41, %select_n3A : vector<128x128xi32>
    %eq3A = arith.cmpi eq, %iota3A_15, %add3A_42 : vector<128x128xi32>
    %convert_element_type3A = arith.extui %eq3A : vector<128x128xi1> to vector<128x128xi32>
    %convert_element_type3A_43 = arith.sitofp %convert_element_type3A : vector<128x128xi32> to vector<128x128xf32>
    %dot_general3A = arith.constant dense<0.000000e+00> : vector<32x128xf32>
    %dot_general3A_44 = tpu.matmul %mul3A_14, %convert_element_type3A_43, %dot_general3A {dimension_numbers = #tpu.dot_dimension_numbers<[1], [0], [0], [1], [0, 0, 1, 1], [], []>, precision = #tpu.contract_precision<fp32>, transpose_lhs_hint = false} : vector<32x128xf32>, vector<128x128xf32>, vector<32x128xf32> -> vector<32x128xf32>
    %jit3A_45 = arith.constant 8 : i32
    %div3A_46 = vector.broadcast %jit3A_45 : i32 to vector<128x128xi32>
    %div3A_47 = arith.divsi %iota3A, %div3A_46 : vector<128x128xi32>
    %sign3A_48 = arith.constant 0 : i32
    %sign3A_49 = vector.broadcast %sign3A_48 : i32 to vector<128x128xi32>
    %sign3A_50 = arith.cmpi sgt, %iota3A, %sign3A_49 : vector<128x128xi32>
    %sign3A_51 = arith.extui %sign3A_50 : vector<128x128xi1> to vector<128x128xi32>
    %sign3A_52 = arith.constant 0 : i32
    %sign3A_53 = vector.broadcast %sign3A_52 : i32 to vector<128x128xi32>
    %sign3A_54 = arith.cmpi slt, %iota3A, %sign3A_53 : vector<128x128xi32>
    %sign3A_55 = arith.extui %sign3A_54 : vector<128x128xi1> to vector<128x128xi32>
    %sign3A_56 = arith.subi %sign3A_51, %sign3A_55 : vector<128x128xi32>
    %sign3A_57 = arith.constant 0 : i32
    %sign3A_58 = arith.cmpi sgt, %jit3A_45, %sign3A_57 : i32
    %sign3A_59 = arith.extui %sign3A_58 : i1 to i32
    %sign3A_60 = arith.constant 0 : i32
    %sign3A_61 = arith.cmpi slt, %jit3A_45, %sign3A_60 : i32
    %sign3A_62 = arith.extui %sign3A_61 : i1 to i32
    %sign3A_63 = arith.subi %sign3A_59, %sign3A_62 : i32
    %ne3A_64 = vector.broadcast %sign3A_63 : i32 to vector<128x128xi32>
    %ne3A_65 = arith.cmpi ne, %sign3A_56, %ne3A_64 : vector<128x128xi32>
    %rem3A_66 = vector.broadcast %jit3A_45 : i32 to vector<128x128xi32>
    %rem3A_67 = arith.remsi %iota3A, %rem3A_66 : vector<128x128xi32>
    %ne3A_68 = arith.constant 0 : i32
    %ne3A_69 = vector.broadcast %ne3A_68 : i32 to vector<128x128xi32>
    %ne3A_70 = arith.cmpi ne, %rem3A_67, %ne3A_69 : vector<128x128xi32>
    %and3A_71 = arith.andi %ne3A_65, %ne3A_70 : vector<128x128xi1>
    %sub3A_72 = arith.constant 1 : i32
    %sub3A_73 = vector.broadcast %sub3A_72 : i32 to vector<128x128xi32>
    %sub3A_74 = arith.subi %div3A_47, %sub3A_73 : vector<128x128xi32>
    %select_n3A_75 = arith.select %and3A_71, %sub3A_74, %div3A_47 : vector<128x128xi1>, vector<128x128xi32>
    %add3A_76 = arith.constant 16 : i32
    %add3A_77 = vector.broadcast %add3A_76 : i32 to vector<128x128xi32>
    %add3A_78 = arith.addi %add3A_77, %select_n3A_75 : vector<128x128xi32>
    %eq3A_79 = arith.cmpi eq, %iota3A_15, %add3A_78 : vector<128x128xi32>
    %convert_element_type3A_80 = arith.extui %eq3A_79 : vector<128x128xi1> to vector<128x128xi32>
    %convert_element_type3A_81 = arith.sitofp %convert_element_type3A_80 : vector<128x128xi32> to vector<128x128xf32>
    %dot_general3A_82 = arith.constant dense<0.000000e+00> : vector<32x128xf32>
    %dot_general3A_83 = tpu.matmul %mul3A_14, %convert_element_type3A_81, %dot_general3A_82 {dimension_numbers = #tpu.dot_dimension_numbers<[1], [0], [0], [1], [0, 0, 1, 1], [], []>, precision = #tpu.contract_precision<fp32>, transpose_lhs_hint = false} : vector<32x128xf32>, vector<128x128xf32>, vector<32x128xf32> -> vector<32x128xf32>
    %jit3A_84 = arith.constant 8 : i32
    %div3A_85 = vector.broadcast %jit3A_84 : i32 to vector<128x128xi32>
    %div3A_86 = arith.divsi %iota3A, %div3A_85 : vector<128x128xi32>
    %sign3A_87 = arith.constant 0 : i32
    %sign3A_88 = vector.broadcast %sign3A_87 : i32 to vector<128x128xi32>
    %sign3A_89 = arith.cmpi sgt, %iota3A, %sign3A_88 : vector<128x128xi32>
    %sign3A_90 = arith.extui %sign3A_89 : vector<128x128xi1> to vector<128x128xi32>
    %sign3A_91 = arith.constant 0 : i32
    %sign3A_92 = vector.broadcast %sign3A_91 : i32 to vector<128x128xi32>
    %sign3A_93 = arith.cmpi slt, %iota3A, %sign3A_92 : vector<128x128xi32>
    %sign3A_94 = arith.extui %sign3A_93 : vector<128x128xi1> to vector<128x128xi32>
    %sign3A_95 = arith.subi %sign3A_90, %sign3A_94 : vector<128x128xi32>
    %sign3A_96 = arith.constant 0 : i32
    %sign3A_97 = arith.cmpi sgt, %jit3A_84, %sign3A_96 : i32
    %sign3A_98 = arith.extui %sign3A_97 : i1 to i32
    %sign3A_99 = arith.constant 0 : i32
    %sign3A_100 = arith.cmpi slt, %jit3A_84, %sign3A_99 : i32
    %sign3A_101 = arith.extui %sign3A_100 : i1 to i32
    %sign3A_102 = arith.subi %sign3A_98, %sign3A_101 : i32
    %ne3A_103 = vector.broadcast %sign3A_102 : i32 to vector<128x128xi32>
    %ne3A_104 = arith.cmpi ne, %sign3A_95, %ne3A_103 : vector<128x128xi32>
    %rem3A_105 = vector.broadcast %jit3A_84 : i32 to vector<128x128xi32>
    %rem3A_106 = arith.remsi %iota3A, %rem3A_105 : vector<128x128xi32>
    %ne3A_107 = arith.constant 0 : i32
    %ne3A_108 = vector.broadcast %ne3A_107 : i32 to vector<128x128xi32>
    %ne3A_109 = arith.cmpi ne, %rem3A_106, %ne3A_108 : vector<128x128xi32>
    %and3A_110 = arith.andi %ne3A_104, %ne3A_109 : vector<128x128xi1>
    %sub3A_111 = arith.constant 1 : i32
    %sub3A_112 = vector.broadcast %sub3A_111 : i32 to vector<128x128xi32>
    %sub3A_113 = arith.subi %div3A_86, %sub3A_112 : vector<128x128xi32>
    %select_n3A_114 = arith.select %and3A_110, %sub3A_113, %div3A_86 : vector<128x128xi1>, vector<128x128xi32>
    %add3A_115 = arith.constant 32 : i32
    %add3A_116 = vector.broadcast %add3A_115 : i32 to vector<128x128xi32>
    %add3A_117 = arith.addi %add3A_116, %select_n3A_114 : vector<128x128xi32>
    %eq3A_118 = arith.cmpi eq, %iota3A_15, %add3A_117 : vector<128x128xi32>
    %convert_element_type3A_119 = arith.extui %eq3A_118 : vector<128x128xi1> to vector<128x128xi32>
    %convert_element_type3A_120 = arith.sitofp %convert_element_type3A_119 : vector<128x128xi32> to vector<128x128xf32>
    %dot_general3A_121 = arith.constant dense<0.000000e+00> : vector<32x128xf32>
    %dot_general3A_122 = tpu.matmul %mul3A_14, %convert_element_type3A_120, %dot_general3A_121 {dimension_numbers = #tpu.dot_dimension_numbers<[1], [0], [0], [1], [0, 0, 1, 1], [], []>, precision = #tpu.contract_precision<fp32>, transpose_lhs_hint = false} : vector<32x128xf32>, vector<128x128xf32>, vector<32x128xf32> -> vector<32x128xf32>
    %jit3A_123 = arith.constant 8 : i32
    %div3A_124 = vector.broadcast %jit3A_123 : i32 to vector<128x128xi32>
    %div3A_125 = arith.divsi %iota3A, %div3A_124 : vector<128x128xi32>
    %sign3A_126 = arith.constant 0 : i32
    %sign3A_127 = vector.broadcast %sign3A_126 : i32 to vector<128x128xi32>
    %sign3A_128 = arith.cmpi sgt, %iota3A, %sign3A_127 : vector<128x128xi32>
    %sign3A_129 = arith.extui %sign3A_128 : vector<128x128xi1> to vector<128x128xi32>
    %sign3A_130 = arith.constant 0 : i32
    %sign3A_131 = vector.broadcast %sign3A_130 : i32 to vector<128x128xi32>
    %sign3A_132 = arith.cmpi slt, %iota3A, %sign3A_131 : vector<128x128xi32>
    %sign3A_133 = arith.extui %sign3A_132 : vector<128x128xi1> to vector<128x128xi32>
    %sign3A_134 = arith.subi %sign3A_129, %sign3A_133 : vector<128x128xi32>
    %sign3A_135 = arith.constant 0 : i32
    %sign3A_136 = arith.cmpi sgt, %jit3A_123, %sign3A_135 : i32
    %sign3A_137 = arith.extui %sign3A_136 : i1 to i32
    %sign3A_138 = arith.constant 0 : i32
    %sign3A_139 = arith.cmpi slt, %jit3A_123, %sign3A_138 : i32
    %sign3A_140 = arith.extui %sign3A_139 : i1 to i32
    %sign3A_141 = arith.subi %sign3A_137, %sign3A_140 : i32
    %ne3A_142 = vector.broadcast %sign3A_141 : i32 to vector<128x128xi32>
    %ne3A_143 = arith.cmpi ne, %sign3A_134, %ne3A_142 : vector<128x128xi32>
    %rem3A_144 = vector.broadcast %jit3A_123 : i32 to vector<128x128xi32>
    %rem3A_145 = arith.remsi %iota3A, %rem3A_144 : vector<128x128xi32>
    %ne3A_146 = arith.constant 0 : i32
    %ne3A_147 = vector.broadcast %ne3A_146 : i32 to vector<128x128xi32>
    %ne3A_148 = arith.cmpi ne, %rem3A_145, %ne3A_147 : vector<128x128xi32>
    %and3A_149 = arith.andi %ne3A_143, %ne3A_148 : vector<128x128xi1>
    %sub3A_150 = arith.constant 1 : i32
    %sub3A_151 = vector.broadcast %sub3A_150 : i32 to vector<128x128xi32>
    %sub3A_152 = arith.subi %div3A_125, %sub3A_151 : vector<128x128xi32>
    %select_n3A_153 = arith.select %and3A_149, %sub3A_152, %div3A_125 : vector<128x128xi1>, vector<128x128xi32>
    %add3A_154 = arith.constant 48 : i32
    %add3A_155 = vector.broadcast %add3A_154 : i32 to vector<128x128xi32>
    %add3A_156 = arith.addi %add3A_155, %select_n3A_153 : vector<128x128xi32>
    %eq3A_157 = arith.cmpi eq, %iota3A_15, %add3A_156 : vector<128x128xi32>
    %convert_element_type3A_158 = arith.extui %eq3A_157 : vector<128x128xi1> to vector<128x128xi32>
    %convert_element_type3A_159 = arith.sitofp %convert_element_type3A_158 : vector<128x128xi32> to vector<128x128xf32>
    %dot_general3A_160 = arith.constant dense<0.000000e+00> : vector<32x128xf32>
    %dot_general3A_161 = tpu.matmul %mul3A_14, %convert_element_type3A_159, %dot_general3A_160 {dimension_numbers = #tpu.dot_dimension_numbers<[1], [0], [0], [1], [0, 0, 1, 1], [], []>, precision = #tpu.contract_precision<fp32>, transpose_lhs_hint = false} : vector<32x128xf32>, vector<128x128xf32>, vector<32x128xf32> -> vector<32x128xf32>
    %jit3A_162 = arith.constant 8 : i32
    %div3A_163 = vector.broadcast %jit3A_162 : i32 to vector<128x128xi32>
    %div3A_164 = arith.divsi %iota3A, %div3A_163 : vector<128x128xi32>
    %sign3A_165 = arith.constant 0 : i32
    %sign3A_166 = vector.broadcast %sign3A_165 : i32 to vector<128x128xi32>
    %sign3A_167 = arith.cmpi sgt, %iota3A, %sign3A_166 : vector<128x128xi32>
    %sign3A_168 = arith.extui %sign3A_167 : vector<128x128xi1> to vector<128x128xi32>
    %sign3A_169 = arith.constant 0 : i32
    %sign3A_170 = vector.broadcast %sign3A_169 : i32 to vector<128x128xi32>
    %sign3A_171 = arith.cmpi slt, %iota3A, %sign3A_170 : vector<128x128xi32>
    %sign3A_172 = arith.extui %sign3A_171 : vector<128x128xi1> to vector<128x128xi32>
    %sign3A_173 = arith.subi %sign3A_168, %sign3A_172 : vector<128x128xi32>
    %sign3A_174 = arith.constant 0 : i32
    %sign3A_175 = arith.cmpi sgt, %jit3A_162, %sign3A_174 : i32
    %sign3A_176 = arith.extui %sign3A_175 : i1 to i32
    %sign3A_177 = arith.constant 0 : i32
    %sign3A_178 = arith.cmpi slt, %jit3A_162, %sign3A_177 : i32
    %sign3A_179 = arith.extui %sign3A_178 : i1 to i32
    %sign3A_180 = arith.subi %sign3A_176, %sign3A_179 : i32
    %ne3A_181 = vector.broadcast %sign3A_180 : i32 to vector<128x128xi32>
    %ne3A_182 = arith.cmpi ne, %sign3A_173, %ne3A_181 : vector<128x128xi32>
    %rem3A_183 = vector.broadcast %jit3A_162 : i32 to vector<128x128xi32>
    %rem3A_184 = arith.remsi %iota3A, %rem3A_183 : vector<128x128xi32>
    %ne3A_185 = arith.constant 0 : i32
    %ne3A_186 = vector.broadcast %ne3A_185 : i32 to vector<128x128xi32>
    %ne3A_187 = arith.cmpi ne, %rem3A_184, %ne3A_186 : vector<128x128xi32>
    %and3A_188 = arith.andi %ne3A_182, %ne3A_187 : vector<128x128xi1>
    %sub3A_189 = arith.constant 1 : i32
    %sub3A_190 = vector.broadcast %sub3A_189 : i32 to vector<128x128xi32>
    %sub3A_191 = arith.subi %div3A_164, %sub3A_190 : vector<128x128xi32>
    %select_n3A_192 = arith.select %and3A_188, %sub3A_191, %div3A_164 : vector<128x128xi1>, vector<128x128xi32>
    %add3A_193 = arith.constant 64 : i32
    %add3A_194 = vector.broadcast %add3A_193 : i32 to vector<128x128xi32>
    %add3A_195 = arith.addi %add3A_194, %select_n3A_192 : vector<128x128xi32>
    %eq3A_196 = arith.cmpi eq, %iota3A_15, %add3A_195 : vector<128x128xi32>
    %convert_element_type3A_197 = arith.extui %eq3A_196 : vector<128x128xi1> to vector<128x128xi32>
    %convert_element_type3A_198 = arith.sitofp %convert_element_type3A_197 : vector<128x128xi32> to vector<128x128xf32>
    %dot_general3A_199 = arith.constant dense<0.000000e+00> : vector<32x128xf32>
    %dot_general3A_200 = tpu.matmul %mul3A_14, %convert_element_type3A_198, %dot_general3A_199 {dimension_numbers = #tpu.dot_dimension_numbers<[1], [0], [0], [1], [0, 0, 1, 1], [], []>, precision = #tpu.contract_precision<fp32>, transpose_lhs_hint = false} : vector<32x128xf32>, vector<128x128xf32>, vector<32x128xf32> -> vector<32x128xf32>
    %jit3A_201 = arith.constant 8 : i32
    %div3A_202 = vector.broadcast %jit3A_201 : i32 to vector<128x128xi32>
    %div3A_203 = arith.divsi %iota3A, %div3A_202 : vector<128x128xi32>
    %sign3A_204 = arith.constant 0 : i32
    %sign3A_205 = vector.broadcast %sign3A_204 : i32 to vector<128x128xi32>
    %sign3A_206 = arith.cmpi sgt, %iota3A, %sign3A_205 : vector<128x128xi32>
    %sign3A_207 = arith.extui %sign3A_206 : vector<128x128xi1> to vector<128x128xi32>
    %sign3A_208 = arith.constant 0 : i32
    %sign3A_209 = vector.broadcast %sign3A_208 : i32 to vector<128x128xi32>
    %sign3A_210 = arith.cmpi slt, %iota3A, %sign3A_209 : vector<128x128xi32>
    %sign3A_211 = arith.extui %sign3A_210 : vector<128x128xi1> to vector<128x128xi32>
    %sign3A_212 = arith.subi %sign3A_207, %sign3A_211 : vector<128x128xi32>
    %sign3A_213 = arith.constant 0 : i32
    %sign3A_214 = arith.cmpi sgt, %jit3A_201, %sign3A_213 : i32
    %sign3A_215 = arith.extui %sign3A_214 : i1 to i32
    %sign3A_216 = arith.constant 0 : i32
    %sign3A_217 = arith.cmpi slt, %jit3A_201, %sign3A_216 : i32
    %sign3A_218 = arith.extui %sign3A_217 : i1 to i32
    %sign3A_219 = arith.subi %sign3A_215, %sign3A_218 : i32
    %ne3A_220 = vector.broadcast %sign3A_219 : i32 to vector<128x128xi32>
    %ne3A_221 = arith.cmpi ne, %sign3A_212, %ne3A_220 : vector<128x128xi32>
    %rem3A_222 = vector.broadcast %jit3A_201 : i32 to vector<128x128xi32>
    %rem3A_223 = arith.remsi %iota3A, %rem3A_222 : vector<128x128xi32>
    %ne3A_224 = arith.constant 0 : i32
    %ne3A_225 = vector.broadcast %ne3A_224 : i32 to vector<128x128xi32>
    %ne3A_226 = arith.cmpi ne, %rem3A_223, %ne3A_225 : vector<128x128xi32>
    %and3A_227 = arith.andi %ne3A_221, %ne3A_226 : vector<128x128xi1>
    %sub3A_228 = arith.constant 1 : i32
    %sub3A_229 = vector.broadcast %sub3A_228 : i32 to vector<128x128xi32>
    %sub3A_230 = arith.subi %div3A_203, %sub3A_229 : vector<128x128xi32>
    %select_n3A_231 = arith.select %and3A_227, %sub3A_230, %div3A_203 : vector<128x128xi1>, vector<128x128xi32>
    %add3A_232 = arith.constant 80 : i32
    %add3A_233 = vector.broadcast %add3A_232 : i32 to vector<128x128xi32>
    %add3A_234 = arith.addi %add3A_233, %select_n3A_231 : vector<128x128xi32>
    %eq3A_235 = arith.cmpi eq, %iota3A_15, %add3A_234 : vector<128x128xi32>
    %convert_element_type3A_236 = arith.extui %eq3A_235 : vector<128x128xi1> to vector<128x128xi32>
    %convert_element_type3A_237 = arith.sitofp %convert_element_type3A_236 : vector<128x128xi32> to vector<128x128xf32>
    %dot_general3A_238 = arith.constant dense<0.000000e+00> : vector<32x128xf32>
    %dot_general3A_239 = tpu.matmul %mul3A_14, %convert_element_type3A_237, %dot_general3A_238 {dimension_numbers = #tpu.dot_dimension_numbers<[1], [0], [0], [1], [0, 0, 1, 1], [], []>, precision = #tpu.contract_precision<fp32>, transpose_lhs_hint = false} : vector<32x128xf32>, vector<128x128xf32>, vector<32x128xf32> -> vector<32x128xf32>
    %jit3A_240 = arith.constant 8 : i32
    %div3A_241 = vector.broadcast %jit3A_240 : i32 to vector<128x128xi32>
    %div3A_242 = arith.divsi %iota3A, %div3A_241 : vector<128x128xi32>
    %sign3A_243 = arith.constant 0 : i32
    %sign3A_244 = vector.broadcast %sign3A_243 : i32 to vector<128x128xi32>
    %sign3A_245 = arith.cmpi sgt, %iota3A, %sign3A_244 : vector<128x128xi32>
    %sign3A_246 = arith.extui %sign3A_245 : vector<128x128xi1> to vector<128x128xi32>
    %sign3A_247 = arith.constant 0 : i32
    %sign3A_248 = vector.broadcast %sign3A_247 : i32 to vector<128x128xi32>
    %sign3A_249 = arith.cmpi slt, %iota3A, %sign3A_248 : vector<128x128xi32>
    %sign3A_250 = arith.extui %sign3A_249 : vector<128x128xi1> to vector<128x128xi32>
    %sign3A_251 = arith.subi %sign3A_246, %sign3A_250 : vector<128x128xi32>
    %sign3A_252 = arith.constant 0 : i32
    %sign3A_253 = arith.cmpi sgt, %jit3A_240, %sign3A_252 : i32
    %sign3A_254 = arith.extui %sign3A_253 : i1 to i32
    %sign3A_255 = arith.constant 0 : i32
    %sign3A_256 = arith.cmpi slt, %jit3A_240, %sign3A_255 : i32
    %sign3A_257 = arith.extui %sign3A_256 : i1 to i32
    %sign3A_258 = arith.subi %sign3A_254, %sign3A_257 : i32
    %ne3A_259 = vector.broadcast %sign3A_258 : i32 to vector<128x128xi32>
    %ne3A_260 = arith.cmpi ne, %sign3A_251, %ne3A_259 : vector<128x128xi32>
    %rem3A_261 = vector.broadcast %jit3A_240 : i32 to vector<128x128xi32>
    %rem3A_262 = arith.remsi %iota3A, %rem3A_261 : vector<128x128xi32>
    %ne3A_263 = arith.constant 0 : i32
    %ne3A_264 = vector.broadcast %ne3A_263 : i32 to vector<128x128xi32>
    %ne3A_265 = arith.cmpi ne, %rem3A_262, %ne3A_264 : vector<128x128xi32>
    %and3A_266 = arith.andi %ne3A_260, %ne3A_265 : vector<128x128xi1>
    %sub3A_267 = arith.constant 1 : i32
    %sub3A_268 = vector.broadcast %sub3A_267 : i32 to vector<128x128xi32>
    %sub3A_269 = arith.subi %div3A_242, %sub3A_268 : vector<128x128xi32>
    %select_n3A_270 = arith.select %and3A_266, %sub3A_269, %div3A_242 : vector<128x128xi1>, vector<128x128xi32>
    %add3A_271 = arith.constant 96 : i32
    %add3A_272 = vector.broadcast %add3A_271 : i32 to vector<128x128xi32>
    %add3A_273 = arith.addi %add3A_272, %select_n3A_270 : vector<128x128xi32>
    %eq3A_274 = arith.cmpi eq, %iota3A_15, %add3A_273 : vector<128x128xi32>
    %convert_element_type3A_275 = arith.extui %eq3A_274 : vector<128x128xi1> to vector<128x128xi32>
    %convert_element_type3A_276 = arith.sitofp %convert_element_type3A_275 : vector<128x128xi32> to vector<128x128xf32>
    %dot_general3A_277 = arith.constant dense<0.000000e+00> : vector<32x128xf32>
    %dot_general3A_278 = tpu.matmul %mul3A_14, %convert_element_type3A_276, %dot_general3A_277 {dimension_numbers = #tpu.dot_dimension_numbers<[1], [0], [0], [1], [0, 0, 1, 1], [], []>, precision = #tpu.contract_precision<fp32>, transpose_lhs_hint = false} : vector<32x128xf32>, vector<128x128xf32>, vector<32x128xf32> -> vector<32x128xf32>
    %jit3A_279 = arith.constant 8 : i32
    %div3A_280 = vector.broadcast %jit3A_279 : i32 to vector<128x128xi32>
    %div3A_281 = arith.divsi %iota3A, %div3A_280 : vector<128x128xi32>
    %sign3A_282 = arith.constant 0 : i32
    %sign3A_283 = vector.broadcast %sign3A_282 : i32 to vector<128x128xi32>
    %sign3A_284 = arith.cmpi sgt, %iota3A, %sign3A_283 : vector<128x128xi32>
    %sign3A_285 = arith.extui %sign3A_284 : vector<128x128xi1> to vector<128x128xi32>
    %sign3A_286 = arith.constant 0 : i32
    %sign3A_287 = vector.broadcast %sign3A_286 : i32 to vector<128x128xi32>
    %sign3A_288 = arith.cmpi slt, %iota3A, %sign3A_287 : vector<128x128xi32>
    %sign3A_289 = arith.extui %sign3A_288 : vector<128x128xi1> to vector<128x128xi32>
    %sign3A_290 = arith.subi %sign3A_285, %sign3A_289 : vector<128x128xi32>
    %sign3A_291 = arith.constant 0 : i32
    %sign3A_292 = arith.cmpi sgt, %jit3A_279, %sign3A_291 : i32
    %sign3A_293 = arith.extui %sign3A_292 : i1 to i32
    %sign3A_294 = arith.constant 0 : i32
    %sign3A_295 = arith.cmpi slt, %jit3A_279, %sign3A_294 : i32
    %sign3A_296 = arith.extui %sign3A_295 : i1 to i32
    %sign3A_297 = arith.subi %sign3A_293, %sign3A_296 : i32
    %ne3A_298 = vector.broadcast %sign3A_297 : i32 to vector<128x128xi32>
    %ne3A_299 = arith.cmpi ne, %sign3A_290, %ne3A_298 : vector<128x128xi32>
    %rem3A_300 = vector.broadcast %jit3A_279 : i32 to vector<128x128xi32>
    %rem3A_301 = arith.remsi %iota3A, %rem3A_300 : vector<128x128xi32>
    %ne3A_302 = arith.constant 0 : i32
    %ne3A_303 = vector.broadcast %ne3A_302 : i32 to vector<128x128xi32>
    %ne3A_304 = arith.cmpi ne, %rem3A_301, %ne3A_303 : vector<128x128xi32>
    %and3A_305 = arith.andi %ne3A_299, %ne3A_304 : vector<128x128xi1>
    %sub3A_306 = arith.constant 1 : i32
    %sub3A_307 = vector.broadcast %sub3A_306 : i32 to vector<128x128xi32>
    %sub3A_308 = arith.subi %div3A_281, %sub3A_307 : vector<128x128xi32>
    %select_n3A_309 = arith.select %and3A_305, %sub3A_308, %div3A_281 : vector<128x128xi1>, vector<128x128xi32>
    %add3A_310 = arith.constant 112 : i32
    %add3A_311 = vector.broadcast %add3A_310 : i32 to vector<128x128xi32>
    %add3A_312 = arith.addi %add3A_311, %select_n3A_309 : vector<128x128xi32>
    %eq3A_313 = arith.cmpi eq, %iota3A_15, %add3A_312 : vector<128x128xi32>
    %convert_element_type3A_314 = arith.extui %eq3A_313 : vector<128x128xi1> to vector<128x128xi32>
    %convert_element_type3A_315 = arith.sitofp %convert_element_type3A_314 : vector<128x128xi32> to vector<128x128xf32>
    %dot_general3A_316 = arith.constant dense<0.000000e+00> : vector<32x128xf32>
    %dot_general3A_317 = tpu.matmul %mul3A_14, %convert_element_type3A_315, %dot_general3A_316 {dimension_numbers = #tpu.dot_dimension_numbers<[1], [0], [0], [1], [0, 0, 1, 1], [], []>, precision = #tpu.contract_precision<fp32>, transpose_lhs_hint = false} : vector<32x128xf32>, vector<128x128xf32>, vector<32x128xf32> -> vector<32x128xf32>
    %stack3A = vector.shape_cast %dot_general3A_44 : vector<32x128xf32> to vector<32x1x128xf32>
    %stack3A_318 = vector.shape_cast %dot_general3A_83 : vector<32x128xf32> to vector<32x1x128xf32>
    %stack3A_319 = vector.shape_cast %dot_general3A_122 : vector<32x128xf32> to vector<32x1x128xf32>
    %stack3A_320 = vector.shape_cast %dot_general3A_161 : vector<32x128xf32> to vector<32x1x128xf32>
    %stack3A_321 = vector.shape_cast %dot_general3A_200 : vector<32x128xf32> to vector<32x1x128xf32>
    %stack3A_322 = vector.shape_cast %dot_general3A_239 : vector<32x128xf32> to vector<32x1x128xf32>
    %stack3A_323 = vector.shape_cast %dot_general3A_278 : vector<32x128xf32> to vector<32x1x128xf32>
    %stack3A_324 = vector.shape_cast %dot_general3A_317 : vector<32x128xf32> to vector<32x1x128xf32>
    %stack3A_325 = tpu.concatenate %stack3A, %stack3A_318, %stack3A_319, %stack3A_320, %stack3A_321, %stack3A_322, %stack3A_323, %stack3A_324 in 1 : vector<32x1x128xf32>, vector<32x1x128xf32>, vector<32x1x128xf32>, vector<32x1x128xf32>, vector<32x1x128xf32>, vector<32x1x128xf32>, vector<32x1x128xf32>, vector<32x1x128xf32> -> vector<32x8x128xf32>
    %reshape3A = vector.shape_cast %stack3A_325 : vector<32x8x128xf32> to vector<256x128xf32>
    %get3A_326 = arith.constant 0 : index
    %get3A_327 = arith.constant 0 : index
    %get3A_328 = vector.load %arg3[%get3A_326, %get3A_327] : memref<256x128xf32, #tpu.memory_space<vmem>>, vector<256x128xf32>
    %mul3A_329 = arith.mulf %get3A_328, %reshape3A : vector<256x128xf32>
    %swap3A = arith.constant 0 : index
    %swap3A_330 = arith.constant 0 : index
    %swap3A_331 = vector.load %arg4[%swap3A, %swap3A_330] : memref<256x128xf32, #tpu.memory_space<vmem>>, vector<256x128xf32>
    tpu.vector_store %arg4[%swap3A, %swap3A_330], %mul3A_329 {strides = array<i32>} : memref<256x128xf32, #tpu.memory_space<vmem>>, vector<256x128xf32>,
    %swap3A_332 = arith.constant 0 : index
    %swap3A_333 = arith.constant 0 : index
    %swap3A_334 = vector.load %arg5[%swap3A_332, %swap3A_333] : memref<256x128xf32, #tpu.memory_space<vmem>>, vector<256x128xf32>
    tpu.vector_store %arg5[%swap3A_332, %swap3A_333], %reshape3A {strides = array<i32>} : memref<256x128xf32, #tpu.memory_space<vmem>>, vector<256x128xf32>,
    return
  }
  func.func @transform_0(%arg0: i32) -> (i32, i32) {
    %c0_i32 = arith.constant 0 : i32
    %c0_i32_0 = arith.constant 0 : i32
    return %arg0, %c0_i32 : i32, i32
  }
  func.func @transform_1(%arg0: i32) -> (i32, i32) {
    %add3A = arith.constant 25 : i32
    %add3A_0 = arith.addi %arg0, %add3A : i32
    %c0_i32 = arith.constant 0 : i32
    %c0_i32_1 = arith.constant 0 : i32
    return %add3A_0, %c0_i32 : i32, i32
  }
  func.func @transform_2(%arg0: i32) -> (i32, i32) {
    %c0_i32 = arith.constant 0 : i32
    %c0_i32_0 = arith.constant 0 : i32
    return %arg0, %c0_i32 : i32, i32
  }
  func.func @transform_3(%arg0: i32) -> (i32, i32) {
    %c0_i32 = arith.constant 0 : i32
    %c0_i32_0 = arith.constant 0 : i32
    return %arg0, %c0_i32 : i32, i32
  }
  func.func @transform_4(%arg0: i32) -> (i32, i32) {
    %c0_i32 = arith.constant 0 : i32
    %c0_i32_0 = arith.constant 0 : i32
    return %arg0, %c0_i32 : i32, i32
  }
}

module attributes {stable_mosaic.version = 14 : i64} {
  func.func @body(%arg0: i32, %arg1: memref<256x128xf32, #tpu.memory_space<vmem>>, %arg2: memref<256x128xf32, #tpu.memory_space<vmem>>, %arg3: memref<256x128xf32, #tpu.memory_space<vmem>>, %arg4: memref<256x128xf32, #tpu.memory_space<vmem>>, %arg5: memref<128x256xf32, #tpu.memory_space<vmem>>, %arg6: memref<1x256xf32, #tpu.memory_space<vmem>>, %arg7: memref<256x128xf32, #tpu.memory_space<vmem>>, %arg8: memref<256x128xf32, #tpu.memory_space<vmem>>) attributes {dimension_semantics = [#tpu.dimension_semantics<arbitrary>], iteration_bounds = array<i64: 25>, scalar_prefetch = 0 : i64, scratch_operands = 0 : i64, tpu.core_type = #tpu.core_type<tc>, window_params = [{transform_indices = @transform_0, window_bounds = array<i64: 256, 128>}, {transform_indices = @transform_1, window_bounds = array<i64: 256, 128>}, {transform_indices = @transform_2, window_bounds = array<i64: 256, 128>}, {transform_indices = @transform_3, window_bounds = array<i64: 256, 128>}, {pipeline_mode = #tpu.pipeline_mode<synchronous>, transform_indices = @transform_4, window_bounds = array<i64: 128, 256>}, {pipeline_mode = #tpu.pipeline_mode<synchronous>, transform_indices = @transform_5, window_bounds = array<i64: 1, 256>}, {transform_indices = @transform_6, window_bounds = array<i64: 256, 128>}, {transform_indices = @transform_7, window_bounds = array<i64: 256, 128>}]} {
    %get3A = arith.constant 0 : index
    %get3A_0 = arith.constant 0 : index
    %get3A_1 = vector.load %arg4[%get3A, %get3A_0] : memref<256x128xf32, #tpu.memory_space<vmem>>, vector<256x128xf32>
    %get3A_2 = arith.constant 0 : index
    %get3A_3 = arith.constant 0 : index
    %get3A_4 = vector.load %arg1[%get3A_2, %get3A_3] : memref<256x128xf32, #tpu.memory_space<vmem>>, vector<256x128xf32>
    %get3A_5 = arith.constant 0 : index
    %get3A_6 = arith.constant 0 : index
    %get3A_7 = vector.load %arg2[%get3A_5, %get3A_6] : memref<256x128xf32, #tpu.memory_space<vmem>>, vector<256x128xf32>
    %add3A = arith.addf %get3A_4, %get3A_7 : vector<256x128xf32>
    %get3A_8 = arith.constant 0 : index
    %get3A_9 = arith.constant 0 : index
    %get3A_10 = vector.load %arg3[%get3A_8, %get3A_9] : memref<256x128xf32, #tpu.memory_space<vmem>>, vector<256x128xf32>
    %add3A_11 = arith.addf %add3A, %get3A_10 : vector<256x128xf32>
    %mul3A = arith.mulf %add3A_11, %get3A_1 : vector<256x128xf32>
    %get3A_12 = arith.constant 0 : index
    %get3A_13 = arith.constant 0 : index
    %get3A_14 = vector.load %arg5[%get3A_12, %get3A_13] : memref<128x256xf32, #tpu.memory_space<vmem>>, vector<128x256xf32>
    %dot_general3A = arith.constant dense<0.000000e+00> : vector<256x256xf32>
    %dot_general3A_15 = tpu.matmul %mul3A, %get3A_14, %dot_general3A {dimension_numbers = #tpu.dot_dimension_numbers<[1], [0], [0], [1], [0, 0, 1, 1], [], []>, precision = #tpu.contract_precision<fp32>, transpose_lhs_hint = false} : vector<256x128xf32>, vector<128x256xf32>, vector<256x256xf32> -> vector<256x256xf32>
    %get3A_16 = arith.constant 0 : index
    %get3A_17 = arith.constant 0 : index
    %get3A_18 = vector.load %arg6[%get3A_16, %get3A_17] : memref<1x256xf32, #tpu.memory_space<vmem>>, vector<1x256xf32>
    %add3A_19 = vector.broadcast %get3A_18 : vector<1x256xf32> to vector<256x256xf32>
    %add3A_20 = arith.addf %dot_general3A_15, %add3A_19 : vector<256x256xf32>
    %concatenate3A = tpu.concatenate %get3A_1, %get3A_1 in 1 : vector<256x128xf32>, vector<256x128xf32> -> vector<256x256xf32>
    %max3A = arith.constant 0.000000e+00 : f32
    %max3A_21 = vector.broadcast %max3A : f32 to vector<256x256xf32>
    %max3A_22 = arith.maximumf %add3A_20, %max3A_21 : vector<256x256xf32>
    %mul3A_23 = arith.mulf %max3A_22, %concatenate3A : vector<256x256xf32>
    %slice3A = vector.extract_strided_slice %mul3A_23 {offsets = [0, 0], sizes = [256, 128], strides = [1, 1]} : vector<256x256xf32> to vector<256x128xf32>
    %swap3A = arith.constant 0 : index
    %swap3A_24 = arith.constant 0 : index
    %swap3A_25 = vector.load %arg7[%swap3A, %swap3A_24] : memref<256x128xf32, #tpu.memory_space<vmem>>, vector<256x128xf32>
    tpu.vector_store %arg7[%swap3A, %swap3A_24], %slice3A {strides = array<i32>} : memref<256x128xf32, #tpu.memory_space<vmem>>, vector<256x128xf32>,
    %slice3A_26 = vector.extract_strided_slice %mul3A_23 {offsets = [0, 128], sizes = [256, 128], strides = [1, 1]} : vector<256x256xf32> to vector<256x128xf32>
    %swap3A_27 = arith.constant 0 : index
    %swap3A_28 = arith.constant 0 : index
    %swap3A_29 = vector.load %arg8[%swap3A_27, %swap3A_28] : memref<256x128xf32, #tpu.memory_space<vmem>>, vector<256x128xf32>
    tpu.vector_store %arg8[%swap3A_27, %swap3A_28], %slice3A_26 {strides = array<i32>} : memref<256x128xf32, #tpu.memory_space<vmem>>, vector<256x128xf32>,
    return
  }
  func.func @transform_0(%arg0: i32) -> (i32, i32) {
    %c0_i32 = arith.constant 0 : i32
    %c0_i32_0 = arith.constant 0 : i32
    return %arg0, %c0_i32 : i32, i32
  }
  func.func @transform_1(%arg0: i32) -> (i32, i32) {
    %add3A = arith.constant 25 : i32
    %add3A_0 = arith.addi %arg0, %add3A : i32
    %c0_i32 = arith.constant 0 : i32
    %c0_i32_1 = arith.constant 0 : i32
    return %add3A_0, %c0_i32 : i32, i32
  }
  func.func @transform_2(%arg0: i32) -> (i32, i32) {
    %c0_i32 = arith.constant 0 : i32
    %c0_i32_0 = arith.constant 0 : i32
    return %arg0, %c0_i32 : i32, i32
  }
  func.func @transform_3(%arg0: i32) -> (i32, i32) {
    %c0_i32 = arith.constant 0 : i32
    %c0_i32_0 = arith.constant 0 : i32
    return %arg0, %c0_i32 : i32, i32
  }
  func.func @transform_4(%arg0: i32) -> (i32, i32) {
    %c0_i32 = arith.constant 0 : i32
    %c0_i32_0 = arith.constant 0 : i32
    %c0_i32_1 = arith.constant 0 : i32
    return %c0_i32, %c0_i32_0 : i32, i32
  }
  func.func @transform_5(%arg0: i32) -> (i32, i32) {
    %c0_i32 = arith.constant 0 : i32
    %c0_i32_0 = arith.constant 0 : i32
    %c0_i32_1 = arith.constant 0 : i32
    return %c0_i32, %c0_i32_0 : i32, i32
  }
  func.func @transform_6(%arg0: i32) -> (i32, i32) {
    %c0_i32 = arith.constant 0 : i32
    %c0_i32_0 = arith.constant 0 : i32
    return %arg0, %c0_i32 : i32, i32
  }
  func.func @transform_7(%arg0: i32) -> (i32, i32) {
    %c0_i32 = arith.constant 0 : i32
    %c0_i32_0 = arith.constant 0 : i32
    return %arg0, %c0_i32 : i32, i32
  }
}

module attributes {stable_mosaic.version = 14 : i64} {
  func.func @body(%arg0: i32, %arg1: memref<256x128xf32, #tpu.memory_space<vmem>>, %arg2: memref<256x128xf32, #tpu.memory_space<vmem>>, %arg3: memref<256x128xf32, #tpu.memory_space<vmem>>, %arg4: memref<256x128xf32, #tpu.memory_space<vmem>>, %arg5: memref<256x128xf32, #tpu.memory_space<vmem>>, %arg6: memref<16x256xi32, #tpu.memory_space<vmem>>, %arg7: memref<256x512xf32, #tpu.memory_space<vmem>>, %arg8: memref<1x512xf32, #tpu.memory_space<vmem>>, %arg9: memref<32x1xf32, #tpu.memory_space<vmem>>, %arg10: memref<1x1xf32, #tpu.memory_space<vmem>>, %arg11: memref<64x1xf32, #tpu.memory_space<vmem>>, %arg12: memref<64x32xf32, #tpu.memory_space<vmem>>, %arg13: memref<64x1xf32, #tpu.memory_space<vmem>>) attributes {dimension_semantics = [#tpu.dimension_semantics<arbitrary>], iteration_bounds = array<i64: 25>, scalar_prefetch = 0 : i64, scratch_operands = 2 : i64, tpu.core_type = #tpu.core_type<tc>, window_params = [{transform_indices = @transform_0, window_bounds = array<i64: 256, 128>}, {transform_indices = @transform_1, window_bounds = array<i64: 256, 128>}, {transform_indices = @transform_2, window_bounds = array<i64: 256, 128>}, {transform_indices = @transform_3, window_bounds = array<i64: 256, 128>}, {transform_indices = @transform_4, window_bounds = array<i64: 256, 128>}, {transform_indices = @transform_5, window_bounds = array<i64: 16, 256>}, {pipeline_mode = #tpu.pipeline_mode<synchronous>, transform_indices = @transform_6, window_bounds = array<i64: 256, 512>}, {pipeline_mode = #tpu.pipeline_mode<synchronous>, transform_indices = @transform_7, window_bounds = array<i64: 1, 512>}, {pipeline_mode = #tpu.pipeline_mode<synchronous>, transform_indices = @transform_8, window_bounds = array<i64: 32, 1>}, {pipeline_mode = #tpu.pipeline_mode<synchronous>, transform_indices = @transform_9, window_bounds = array<i64: 1, 1>}, {pipeline_mode = #tpu.pipeline_mode<synchronous>, transform_indices = @transform_10, window_bounds = array<i64: 64, 1>}]} {
    %eq3A = arith.constant 0 : i32
    %eq3A_0 = arith.cmpi eq, %arg0, %eq3A : i32
    %convert_element_type3A = arith.extui %eq3A_0 : i1 to i32
    %cond3A = arith.constant 0 : i32
    %cond3A_1 = arith.cmpi ne, %convert_element_type3A, %cond3A : i32
    scf.if %cond3A_1 {
      %broadcast_in_dim3A_260 = arith.constant 0.000000e+00 : f32
      %broadcast_in_dim3A_261 = vector.broadcast %broadcast_in_dim3A_260 : f32 to vector<64x32xf32>
      %swap3A_262 = arith.constant 0 : index
      %swap3A_263 = arith.constant 0 : index
      %swap3A_264 = vector.load %arg12[%swap3A_262, %swap3A_263] : memref<64x32xf32, #tpu.memory_space<vmem>>, vector<64x32xf32>
      tpu.vector_store %arg12[%swap3A_262, %swap3A_263], %broadcast_in_dim3A_261 {strides = array<i32>} : memref<64x32xf32, #tpu.memory_space<vmem>>, vector<64x32xf32>,
      %broadcast_in_dim3A_265 = arith.constant 0.000000e+00 : f32
      %broadcast_in_dim3A_266 = vector.broadcast %broadcast_in_dim3A_265 : f32 to vector<64x1xf32>
      %swap3A_267 = arith.constant 0 : index
      %swap3A_268 = arith.constant 0 : index
      %swap3A_269 = vector.load %arg13[%swap3A_267, %swap3A_268] : memref<64x1xf32, #tpu.memory_space<vmem>>, vector<64x1xf32>
      tpu.vector_store %arg13[%swap3A_267, %swap3A_268], %broadcast_in_dim3A_266 {strides = array<i32>} : memref<64x1xf32, #tpu.memory_space<vmem>>, vector<64x1xf32>,
    } else {
    }
    %get3A = arith.constant 0 : index
    %get3A_2 = arith.constant 0 : index
    %get3A_3 = vector.load %arg1[%get3A, %get3A_2] : memref<256x128xf32, #tpu.memory_space<vmem>>, vector<256x128xf32>
    %get3A_4 = arith.constant 0 : index
    %get3A_5 = arith.constant 0 : index
    %get3A_6 = vector.load %arg3[%get3A_4, %get3A_5] : memref<256x128xf32, #tpu.memory_space<vmem>>, vector<256x128xf32>
    %add3A = arith.addf %get3A_3, %get3A_6 : vector<256x128xf32>
    %get3A_7 = arith.constant 0 : index
    %get3A_8 = arith.constant 0 : index
    %get3A_9 = vector.load %arg2[%get3A_7, %get3A_8] : memref<256x128xf32, #tpu.memory_space<vmem>>, vector<256x128xf32>
    %get3A_10 = arith.constant 0 : index
    %get3A_11 = arith.constant 0 : index
    %get3A_12 = vector.load %arg4[%get3A_10, %get3A_11] : memref<256x128xf32, #tpu.memory_space<vmem>>, vector<256x128xf32>
    %add3A_13 = arith.addf %get3A_9, %get3A_12 : vector<256x128xf32>
    %concatenate3A = tpu.concatenate %add3A, %add3A_13 in 1 : vector<256x128xf32>, vector<256x128xf32> -> vector<256x256xf32>
    %get3A_14 = arith.constant 0 : index
    %get3A_15 = arith.constant 0 : index
    %get3A_16 = vector.load %arg5[%get3A_14, %get3A_15] : memref<256x128xf32, #tpu.memory_space<vmem>>, vector<256x128xf32>
    %get3A_17 = arith.constant 0 : index
    %get3A_18 = arith.constant 0 : index
    %get3A_19 = vector.load %arg5[%get3A_17, %get3A_18] : memref<256x128xf32, #tpu.memory_space<vmem>>, vector<256x128xf32>
    %concatenate3A_20 = tpu.concatenate %get3A_16, %get3A_19 in 1 : vector<256x128xf32>, vector<256x128xf32> -> vector<256x256xf32>
    %mul3A = arith.mulf %concatenate3A, %concatenate3A_20 : vector<256x256xf32>
    %get3A_21 = arith.constant 0 : index
    %get3A_22 = arith.constant 0 : index
    %get3A_23 = vector.load %arg7[%get3A_21, %get3A_22] : memref<256x512xf32, #tpu.memory_space<vmem>>, vector<256x512xf32>
    %dot_general3A = arith.constant dense<0.000000e+00> : vector<256x512xf32>
    %dot_general3A_24 = tpu.matmul %mul3A, %get3A_23, %dot_general3A {dimension_numbers = #tpu.dot_dimension_numbers<[1], [0], [0], [1], [0, 0, 1, 1], [], []>, precision = #tpu.contract_precision<fp32>, transpose_lhs_hint = false} : vector<256x256xf32>, vector<256x512xf32>, vector<256x512xf32> -> vector<256x512xf32>
    %get3A_25 = arith.constant 0 : index
    %get3A_26 = arith.constant 0 : index
    %get3A_27 = vector.load %arg8[%get3A_25, %get3A_26] : memref<1x512xf32, #tpu.memory_space<vmem>>, vector<1x512xf32>
    %add3A_28 = vector.broadcast %get3A_27 : vector<1x512xf32> to vector<256x512xf32>
    %add3A_29 = arith.addf %dot_general3A_24, %add3A_28 : vector<256x512xf32>
    %max3A = arith.constant 0.000000e+00 : f32
    %max3A_30 = vector.broadcast %max3A : f32 to vector<256x512xf32>
    %max3A_31 = arith.maximumf %add3A_29, %max3A_30 : vector<256x512xf32>
    %get3A_32 = arith.constant 0 : index
    %get3A_33 = arith.constant 0 : index
    %get3A_34 = vector.load %arg6[%get3A_32, %get3A_33] : memref<16x256xi32, #tpu.memory_space<vmem>>, vector<16x256xi32>
    %iota3A = tpu.iota {dimensions = array<i32: 0>} : vector<64x256xi32>
    %get3A_35 = arith.constant 0 : index
    %get3A_36 = arith.constant 0 : index
    %get3A_37 = vector.load %arg12[%get3A_35, %get3A_36] : memref<64x32xf32, #tpu.memory_space<vmem>>, vector<64x32xf32>
    %get3A_38 = arith.constant 0 : index
    %get3A_39 = arith.constant 0 : index
    %get3A_40 = vector.load %arg13[%get3A_38, %get3A_39] : memref<64x1xf32, #tpu.memory_space<vmem>>, vector<64x1xf32>
    %slice3A = vector.extract_strided_slice %max3A_31 {offsets = [0, 0], sizes = [256, 128], strides = [1, 1]} : vector<256x512xf32> to vector<256x128xf32>
    %slice3A_41 = vector.extract_strided_slice %get3A_34 {offsets = [0, 0], sizes = [1, 256], strides = [1, 1]} : vector<16x256xi32> to vector<1x256xi32>
    %eq3A_42 = vector.broadcast %slice3A_41 : vector<1x256xi32> to vector<64x256xi32>
    %eq3A_43 = arith.cmpi eq, %eq3A_42, %iota3A : vector<64x256xi32>
    %convert_element_type3A_44 = arith.extui %eq3A_43 : vector<64x256xi1> to vector<64x256xi32>
    %convert_element_type3A_45 = arith.sitofp %convert_element_type3A_44 : vector<64x256xi32> to vector<64x256xf32>
    %slice3A_46 = vector.extract_strided_slice %slice3A {offsets = [0, 0], sizes = [256, 32], strides = [1, 1]} : vector<256x128xf32> to vector<256x32xf32>
    %dot_general3A_47 = arith.constant dense<0.000000e+00> : vector<64x32xf32>
    %dot_general3A_48 = tpu.matmul %convert_element_type3A_45, %slice3A_46, %dot_general3A_47 {dimension_numbers = #tpu.dot_dimension_numbers<[1], [0], [0], [1], [0, 0, 1, 1], [], []>, precision = #tpu.contract_precision<fp32>, transpose_lhs_hint = false} : vector<64x256xf32>, vector<256x32xf32>, vector<64x32xf32> -> vector<64x32xf32>
    %add3A_49 = arith.addf %get3A_37, %dot_general3A_48 : vector<64x32xf32>
    %reduce_sum3A = arith.constant dense<0.000000e+00> : vector<64xf32>
    %reduce_sum3A_50 = vector.multi_reduction <add>, %convert_element_type3A_45, %reduce_sum3A [1] : vector<64x256xf32> to vector<64xf32>
    %broadcast_in_dim3A = vector.shape_cast %reduce_sum3A_50 : vector<64xf32> to vector<64x1xf32>
    %add3A_51 = arith.addf %get3A_40, %broadcast_in_dim3A : vector<64x1xf32>
    %slice3A_52 = vector.extract_strided_slice %get3A_34 {offsets = [1, 0], sizes = [1, 256], strides = [1, 1]} : vector<16x256xi32> to vector<1x256xi32>
    %eq3A_53 = vector.broadcast %slice3A_52 : vector<1x256xi32> to vector<64x256xi32>
    %eq3A_54 = arith.cmpi eq, %eq3A_53, %iota3A : vector<64x256xi32>
    %convert_element_type3A_55 = arith.extui %eq3A_54 : vector<64x256xi1> to vector<64x256xi32>
    %convert_element_type3A_56 = arith.sitofp %convert_element_type3A_55 : vector<64x256xi32> to vector<64x256xf32>
    %slice3A_57 = vector.extract_strided_slice %slice3A {offsets = [0, 32], sizes = [256, 32], strides = [1, 1]} : vector<256x128xf32> to vector<256x32xf32>
    %dot_general3A_58 = arith.constant dense<0.000000e+00> : vector<64x32xf32>
    %dot_general3A_59 = tpu.matmul %convert_element_type3A_56, %slice3A_57, %dot_general3A_58 {dimension_numbers = #tpu.dot_dimension_numbers<[1], [0], [0], [1], [0, 0, 1, 1], [], []>, precision = #tpu.contract_precision<fp32>, transpose_lhs_hint = false} : vector<64x256xf32>, vector<256x32xf32>, vector<64x32xf32> -> vector<64x32xf32>
    %add3A_60 = arith.addf %add3A_49, %dot_general3A_59 : vector<64x32xf32>
    %reduce_sum3A_61 = arith.constant dense<0.000000e+00> : vector<64xf32>
    %reduce_sum3A_62 = vector.multi_reduction <add>, %convert_element_type3A_56, %reduce_sum3A_61 [1] : vector<64x256xf32> to vector<64xf32>
    %broadcast_in_dim3A_63 = vector.shape_cast %reduce_sum3A_62 : vector<64xf32> to vector<64x1xf32>
    %add3A_64 = arith.addf %add3A_51, %broadcast_in_dim3A_63 : vector<64x1xf32>
    %slice3A_65 = vector.extract_strided_slice %get3A_34 {offsets = [2, 0], sizes = [1, 256], strides = [1, 1]} : vector<16x256xi32> to vector<1x256xi32>
    %eq3A_66 = vector.broadcast %slice3A_65 : vector<1x256xi32> to vector<64x256xi32>
    %eq3A_67 = arith.cmpi eq, %eq3A_66, %iota3A : vector<64x256xi32>
    %convert_element_type3A_68 = arith.extui %eq3A_67 : vector<64x256xi1> to vector<64x256xi32>
    %convert_element_type3A_69 = arith.sitofp %convert_element_type3A_68 : vector<64x256xi32> to vector<64x256xf32>
    %slice3A_70 = vector.extract_strided_slice %slice3A {offsets = [0, 64], sizes = [256, 32], strides = [1, 1]} : vector<256x128xf32> to vector<256x32xf32>
    %dot_general3A_71 = arith.constant dense<0.000000e+00> : vector<64x32xf32>
    %dot_general3A_72 = tpu.matmul %convert_element_type3A_69, %slice3A_70, %dot_general3A_71 {dimension_numbers = #tpu.dot_dimension_numbers<[1], [0], [0], [1], [0, 0, 1, 1], [], []>, precision = #tpu.contract_precision<fp32>, transpose_lhs_hint = false} : vector<64x256xf32>, vector<256x32xf32>, vector<64x32xf32> -> vector<64x32xf32>
    %add3A_73 = arith.addf %add3A_60, %dot_general3A_72 : vector<64x32xf32>
    %reduce_sum3A_74 = arith.constant dense<0.000000e+00> : vector<64xf32>
    %reduce_sum3A_75 = vector.multi_reduction <add>, %convert_element_type3A_69, %reduce_sum3A_74 [1] : vector<64x256xf32> to vector<64xf32>
    %broadcast_in_dim3A_76 = vector.shape_cast %reduce_sum3A_75 : vector<64xf32> to vector<64x1xf32>
    %add3A_77 = arith.addf %add3A_64, %broadcast_in_dim3A_76 : vector<64x1xf32>
    %slice3A_78 = vector.extract_strided_slice %get3A_34 {offsets = [3, 0], sizes = [1, 256], strides = [1, 1]} : vector<16x256xi32> to vector<1x256xi32>
    %eq3A_79 = vector.broadcast %slice3A_78 : vector<1x256xi32> to vector<64x256xi32>
    %eq3A_80 = arith.cmpi eq, %eq3A_79, %iota3A : vector<64x256xi32>
    %convert_element_type3A_81 = arith.extui %eq3A_80 : vector<64x256xi1> to vector<64x256xi32>
    %convert_element_type3A_82 = arith.sitofp %convert_element_type3A_81 : vector<64x256xi32> to vector<64x256xf32>
    %slice3A_83 = vector.extract_strided_slice %slice3A {offsets = [0, 96], sizes = [256, 32], strides = [1, 1]} : vector<256x128xf32> to vector<256x32xf32>
    %dot_general3A_84 = arith.constant dense<0.000000e+00> : vector<64x32xf32>
    %dot_general3A_85 = tpu.matmul %convert_element_type3A_82, %slice3A_83, %dot_general3A_84 {dimension_numbers = #tpu.dot_dimension_numbers<[1], [0], [0], [1], [0, 0, 1, 1], [], []>, precision = #tpu.contract_precision<fp32>, transpose_lhs_hint = false} : vector<64x256xf32>, vector<256x32xf32>, vector<64x32xf32> -> vector<64x32xf32>
    %add3A_86 = arith.addf %add3A_73, %dot_general3A_85 : vector<64x32xf32>
    %reduce_sum3A_87 = arith.constant dense<0.000000e+00> : vector<64xf32>
    %reduce_sum3A_88 = vector.multi_reduction <add>, %convert_element_type3A_82, %reduce_sum3A_87 [1] : vector<64x256xf32> to vector<64xf32>
    %broadcast_in_dim3A_89 = vector.shape_cast %reduce_sum3A_88 : vector<64xf32> to vector<64x1xf32>
    %add3A_90 = arith.addf %add3A_77, %broadcast_in_dim3A_89 : vector<64x1xf32>
    %slice3A_91 = vector.extract_strided_slice %max3A_31 {offsets = [0, 128], sizes = [256, 128], strides = [1, 1]} : vector<256x512xf32> to vector<256x128xf32>
    %slice3A_92 = vector.extract_strided_slice %get3A_34 {offsets = [4, 0], sizes = [1, 256], strides = [1, 1]} : vector<16x256xi32> to vector<1x256xi32>
    %eq3A_93 = vector.broadcast %slice3A_92 : vector<1x256xi32> to vector<64x256xi32>
    %eq3A_94 = arith.cmpi eq, %eq3A_93, %iota3A : vector<64x256xi32>
    %convert_element_type3A_95 = arith.extui %eq3A_94 : vector<64x256xi1> to vector<64x256xi32>
    %convert_element_type3A_96 = arith.sitofp %convert_element_type3A_95 : vector<64x256xi32> to vector<64x256xf32>
    %slice3A_97 = vector.extract_strided_slice %slice3A_91 {offsets = [0, 0], sizes = [256, 32], strides = [1, 1]} : vector<256x128xf32> to vector<256x32xf32>
    %dot_general3A_98 = arith.constant dense<0.000000e+00> : vector<64x32xf32>
    %dot_general3A_99 = tpu.matmul %convert_element_type3A_96, %slice3A_97, %dot_general3A_98 {dimension_numbers = #tpu.dot_dimension_numbers<[1], [0], [0], [1], [0, 0, 1, 1], [], []>, precision = #tpu.contract_precision<fp32>, transpose_lhs_hint = false} : vector<64x256xf32>, vector<256x32xf32>, vector<64x32xf32> -> vector<64x32xf32>
    %add3A_100 = arith.addf %add3A_86, %dot_general3A_99 : vector<64x32xf32>
    %reduce_sum3A_101 = arith.constant dense<0.000000e+00> : vector<64xf32>
    %reduce_sum3A_102 = vector.multi_reduction <add>, %convert_element_type3A_96, %reduce_sum3A_101 [1] : vector<64x256xf32> to vector<64xf32>
    %broadcast_in_dim3A_103 = vector.shape_cast %reduce_sum3A_102 : vector<64xf32> to vector<64x1xf32>
    %add3A_104 = arith.addf %add3A_90, %broadcast_in_dim3A_103 : vector<64x1xf32>
    %slice3A_105 = vector.extract_strided_slice %get3A_34 {offsets = [5, 0], sizes = [1, 256], strides = [1, 1]} : vector<16x256xi32> to vector<1x256xi32>
    %eq3A_106 = vector.broadcast %slice3A_105 : vector<1x256xi32> to vector<64x256xi32>
    %eq3A_107 = arith.cmpi eq, %eq3A_106, %iota3A : vector<64x256xi32>
    %convert_element_type3A_108 = arith.extui %eq3A_107 : vector<64x256xi1> to vector<64x256xi32>
    %convert_element_type3A_109 = arith.sitofp %convert_element_type3A_108 : vector<64x256xi32> to vector<64x256xf32>
    %slice3A_110 = vector.extract_strided_slice %slice3A_91 {offsets = [0, 32], sizes = [256, 32], strides = [1, 1]} : vector<256x128xf32> to vector<256x32xf32>
    %dot_general3A_111 = arith.constant dense<0.000000e+00> : vector<64x32xf32>
    %dot_general3A_112 = tpu.matmul %convert_element_type3A_109, %slice3A_110, %dot_general3A_111 {dimension_numbers = #tpu.dot_dimension_numbers<[1], [0], [0], [1], [0, 0, 1, 1], [], []>, precision = #tpu.contract_precision<fp32>, transpose_lhs_hint = false} : vector<64x256xf32>, vector<256x32xf32>, vector<64x32xf32> -> vector<64x32xf32>
    %add3A_113 = arith.addf %add3A_100, %dot_general3A_112 : vector<64x32xf32>
    %reduce_sum3A_114 = arith.constant dense<0.000000e+00> : vector<64xf32>
    %reduce_sum3A_115 = vector.multi_reduction <add>, %convert_element_type3A_109, %reduce_sum3A_114 [1] : vector<64x256xf32> to vector<64xf32>
    %broadcast_in_dim3A_116 = vector.shape_cast %reduce_sum3A_115 : vector<64xf32> to vector<64x1xf32>
    %add3A_117 = arith.addf %add3A_104, %broadcast_in_dim3A_116 : vector<64x1xf32>
    %slice3A_118 = vector.extract_strided_slice %get3A_34 {offsets = [6, 0], sizes = [1, 256], strides = [1, 1]} : vector<16x256xi32> to vector<1x256xi32>
    %eq3A_119 = vector.broadcast %slice3A_118 : vector<1x256xi32> to vector<64x256xi32>
    %eq3A_120 = arith.cmpi eq, %eq3A_119, %iota3A : vector<64x256xi32>
    %convert_element_type3A_121 = arith.extui %eq3A_120 : vector<64x256xi1> to vector<64x256xi32>
    %convert_element_type3A_122 = arith.sitofp %convert_element_type3A_121 : vector<64x256xi32> to vector<64x256xf32>
    %slice3A_123 = vector.extract_strided_slice %slice3A_91 {offsets = [0, 64], sizes = [256, 32], strides = [1, 1]} : vector<256x128xf32> to vector<256x32xf32>
    %dot_general3A_124 = arith.constant dense<0.000000e+00> : vector<64x32xf32>
    %dot_general3A_125 = tpu.matmul %convert_element_type3A_122, %slice3A_123, %dot_general3A_124 {dimension_numbers = #tpu.dot_dimension_numbers<[1], [0], [0], [1], [0, 0, 1, 1], [], []>, precision = #tpu.contract_precision<fp32>, transpose_lhs_hint = false} : vector<64x256xf32>, vector<256x32xf32>, vector<64x32xf32> -> vector<64x32xf32>
    %add3A_126 = arith.addf %add3A_113, %dot_general3A_125 : vector<64x32xf32>
    %reduce_sum3A_127 = arith.constant dense<0.000000e+00> : vector<64xf32>
    %reduce_sum3A_128 = vector.multi_reduction <add>, %convert_element_type3A_122, %reduce_sum3A_127 [1] : vector<64x256xf32> to vector<64xf32>
    %broadcast_in_dim3A_129 = vector.shape_cast %reduce_sum3A_128 : vector<64xf32> to vector<64x1xf32>
    %add3A_130 = arith.addf %add3A_117, %broadcast_in_dim3A_129 : vector<64x1xf32>
    %slice3A_131 = vector.extract_strided_slice %get3A_34 {offsets = [7, 0], sizes = [1, 256], strides = [1, 1]} : vector<16x256xi32> to vector<1x256xi32>
    %eq3A_132 = vector.broadcast %slice3A_131 : vector<1x256xi32> to vector<64x256xi32>
    %eq3A_133 = arith.cmpi eq, %eq3A_132, %iota3A : vector<64x256xi32>
    %convert_element_type3A_134 = arith.extui %eq3A_133 : vector<64x256xi1> to vector<64x256xi32>
    %convert_element_type3A_135 = arith.sitofp %convert_element_type3A_134 : vector<64x256xi32> to vector<64x256xf32>
    %slice3A_136 = vector.extract_strided_slice %slice3A_91 {offsets = [0, 96], sizes = [256, 32], strides = [1, 1]} : vector<256x128xf32> to vector<256x32xf32>
    %dot_general3A_137 = arith.constant dense<0.000000e+00> : vector<64x32xf32>
    %dot_general3A_138 = tpu.matmul %convert_element_type3A_135, %slice3A_136, %dot_general3A_137 {dimension_numbers = #tpu.dot_dimension_numbers<[1], [0], [0], [1], [0, 0, 1, 1], [], []>, precision = #tpu.contract_precision<fp32>, transpose_lhs_hint = false} : vector<64x256xf32>, vector<256x32xf32>, vector<64x32xf32> -> vector<64x32xf32>
    %add3A_139 = arith.addf %add3A_126, %dot_general3A_138 : vector<64x32xf32>
    %reduce_sum3A_140 = arith.constant dense<0.000000e+00> : vector<64xf32>
    %reduce_sum3A_141 = vector.multi_reduction <add>, %convert_element_type3A_135, %reduce_sum3A_140 [1] : vector<64x256xf32> to vector<64xf32>
    %broadcast_in_dim3A_142 = vector.shape_cast %reduce_sum3A_141 : vector<64xf32> to vector<64x1xf32>
    %add3A_143 = arith.addf %add3A_130, %broadcast_in_dim3A_142 : vector<64x1xf32>
    %slice3A_144 = vector.extract_strided_slice %max3A_31 {offsets = [0, 256], sizes = [256, 128], strides = [1, 1]} : vector<256x512xf32> to vector<256x128xf32>
    %slice3A_145 = vector.extract_strided_slice %get3A_34 {offsets = [8, 0], sizes = [1, 256], strides = [1, 1]} : vector<16x256xi32> to vector<1x256xi32>
    %eq3A_146 = vector.broadcast %slice3A_145 : vector<1x256xi32> to vector<64x256xi32>
    %eq3A_147 = arith.cmpi eq, %eq3A_146, %iota3A : vector<64x256xi32>
    %convert_element_type3A_148 = arith.extui %eq3A_147 : vector<64x256xi1> to vector<64x256xi32>
    %convert_element_type3A_149 = arith.sitofp %convert_element_type3A_148 : vector<64x256xi32> to vector<64x256xf32>
    %slice3A_150 = vector.extract_strided_slice %slice3A_144 {offsets = [0, 0], sizes = [256, 32], strides = [1, 1]} : vector<256x128xf32> to vector<256x32xf32>
    %dot_general3A_151 = arith.constant dense<0.000000e+00> : vector<64x32xf32>
    %dot_general3A_152 = tpu.matmul %convert_element_type3A_149, %slice3A_150, %dot_general3A_151 {dimension_numbers = #tpu.dot_dimension_numbers<[1], [0], [0], [1], [0, 0, 1, 1], [], []>, precision = #tpu.contract_precision<fp32>, transpose_lhs_hint = false} : vector<64x256xf32>, vector<256x32xf32>, vector<64x32xf32> -> vector<64x32xf32>
    %add3A_153 = arith.addf %add3A_139, %dot_general3A_152 : vector<64x32xf32>
    %reduce_sum3A_154 = arith.constant dense<0.000000e+00> : vector<64xf32>
    %reduce_sum3A_155 = vector.multi_reduction <add>, %convert_element_type3A_149, %reduce_sum3A_154 [1] : vector<64x256xf32> to vector<64xf32>
    %broadcast_in_dim3A_156 = vector.shape_cast %reduce_sum3A_155 : vector<64xf32> to vector<64x1xf32>
    %add3A_157 = arith.addf %add3A_143, %broadcast_in_dim3A_156 : vector<64x1xf32>
    %slice3A_158 = vector.extract_strided_slice %get3A_34 {offsets = [9, 0], sizes = [1, 256], strides = [1, 1]} : vector<16x256xi32> to vector<1x256xi32>
    %eq3A_159 = vector.broadcast %slice3A_158 : vector<1x256xi32> to vector<64x256xi32>
    %eq3A_160 = arith.cmpi eq, %eq3A_159, %iota3A : vector<64x256xi32>
    %convert_element_type3A_161 = arith.extui %eq3A_160 : vector<64x256xi1> to vector<64x256xi32>
    %convert_element_type3A_162 = arith.sitofp %convert_element_type3A_161 : vector<64x256xi32> to vector<64x256xf32>
    %slice3A_163 = vector.extract_strided_slice %slice3A_144 {offsets = [0, 32], sizes = [256, 32], strides = [1, 1]} : vector<256x128xf32> to vector<256x32xf32>
    %dot_general3A_164 = arith.constant dense<0.000000e+00> : vector<64x32xf32>
    %dot_general3A_165 = tpu.matmul %convert_element_type3A_162, %slice3A_163, %dot_general3A_164 {dimension_numbers = #tpu.dot_dimension_numbers<[1], [0], [0], [1], [0, 0, 1, 1], [], []>, precision = #tpu.contract_precision<fp32>, transpose_lhs_hint = false} : vector<64x256xf32>, vector<256x32xf32>, vector<64x32xf32> -> vector<64x32xf32>
    %add3A_166 = arith.addf %add3A_153, %dot_general3A_165 : vector<64x32xf32>
    %reduce_sum3A_167 = arith.constant dense<0.000000e+00> : vector<64xf32>
    %reduce_sum3A_168 = vector.multi_reduction <add>, %convert_element_type3A_162, %reduce_sum3A_167 [1] : vector<64x256xf32> to vector<64xf32>
    %broadcast_in_dim3A_169 = vector.shape_cast %reduce_sum3A_168 : vector<64xf32> to vector<64x1xf32>
    %add3A_170 = arith.addf %add3A_157, %broadcast_in_dim3A_169 : vector<64x1xf32>
    %slice3A_171 = vector.extract_strided_slice %get3A_34 {offsets = [10, 0], sizes = [1, 256], strides = [1, 1]} : vector<16x256xi32> to vector<1x256xi32>
    %eq3A_172 = vector.broadcast %slice3A_171 : vector<1x256xi32> to vector<64x256xi32>
    %eq3A_173 = arith.cmpi eq, %eq3A_172, %iota3A : vector<64x256xi32>
    %convert_element_type3A_174 = arith.extui %eq3A_173 : vector<64x256xi1> to vector<64x256xi32>
    %convert_element_type3A_175 = arith.sitofp %convert_element_type3A_174 : vector<64x256xi32> to vector<64x256xf32>
    %slice3A_176 = vector.extract_strided_slice %slice3A_144 {offsets = [0, 64], sizes = [256, 32], strides = [1, 1]} : vector<256x128xf32> to vector<256x32xf32>
    %dot_general3A_177 = arith.constant dense<0.000000e+00> : vector<64x32xf32>
    %dot_general3A_178 = tpu.matmul %convert_element_type3A_175, %slice3A_176, %dot_general3A_177 {dimension_numbers = #tpu.dot_dimension_numbers<[1], [0], [0], [1], [0, 0, 1, 1], [], []>, precision = #tpu.contract_precision<fp32>, transpose_lhs_hint = false} : vector<64x256xf32>, vector<256x32xf32>, vector<64x32xf32> -> vector<64x32xf32>
    %add3A_179 = arith.addf %add3A_166, %dot_general3A_178 : vector<64x32xf32>
    %reduce_sum3A_180 = arith.constant dense<0.000000e+00> : vector<64xf32>
    %reduce_sum3A_181 = vector.multi_reduction <add>, %convert_element_type3A_175, %reduce_sum3A_180 [1] : vector<64x256xf32> to vector<64xf32>
    %broadcast_in_dim3A_182 = vector.shape_cast %reduce_sum3A_181 : vector<64xf32> to vector<64x1xf32>
    %add3A_183 = arith.addf %add3A_170, %broadcast_in_dim3A_182 : vector<64x1xf32>
    %slice3A_184 = vector.extract_strided_slice %get3A_34 {offsets = [11, 0], sizes = [1, 256], strides = [1, 1]} : vector<16x256xi32> to vector<1x256xi32>
    %eq3A_185 = vector.broadcast %slice3A_184 : vector<1x256xi32> to vector<64x256xi32>
    %eq3A_186 = arith.cmpi eq, %eq3A_185, %iota3A : vector<64x256xi32>
    %convert_element_type3A_187 = arith.extui %eq3A_186 : vector<64x256xi1> to vector<64x256xi32>
    %convert_element_type3A_188 = arith.sitofp %convert_element_type3A_187 : vector<64x256xi32> to vector<64x256xf32>
    %slice3A_189 = vector.extract_strided_slice %slice3A_144 {offsets = [0, 96], sizes = [256, 32], strides = [1, 1]} : vector<256x128xf32> to vector<256x32xf32>
    %dot_general3A_190 = arith.constant dense<0.000000e+00> : vector<64x32xf32>
    %dot_general3A_191 = tpu.matmul %convert_element_type3A_188, %slice3A_189, %dot_general3A_190 {dimension_numbers = #tpu.dot_dimension_numbers<[1], [0], [0], [1], [0, 0, 1, 1], [], []>, precision = #tpu.contract_precision<fp32>, transpose_lhs_hint = false} : vector<64x256xf32>, vector<256x32xf32>, vector<64x32xf32> -> vector<64x32xf32>
    %add3A_192 = arith.addf %add3A_179, %dot_general3A_191 : vector<64x32xf32>
    %reduce_sum3A_193 = arith.constant dense<0.000000e+00> : vector<64xf32>
    %reduce_sum3A_194 = vector.multi_reduction <add>, %convert_element_type3A_188, %reduce_sum3A_193 [1] : vector<64x256xf32> to vector<64xf32>
    %broadcast_in_dim3A_195 = vector.shape_cast %reduce_sum3A_194 : vector<64xf32> to vector<64x1xf32>
    %add3A_196 = arith.addf %add3A_183, %broadcast_in_dim3A_195 : vector<64x1xf32>
    %slice3A_197 = vector.extract_strided_slice %max3A_31 {offsets = [0, 384], sizes = [256, 128], strides = [1, 1]} : vector<256x512xf32> to vector<256x128xf32>
    %slice3A_198 = vector.extract_strided_slice %get3A_34 {offsets = [12, 0], sizes = [1, 256], strides = [1, 1]} : vector<16x256xi32> to vector<1x256xi32>
    %eq3A_199 = vector.broadcast %slice3A_198 : vector<1x256xi32> to vector<64x256xi32>
    %eq3A_200 = arith.cmpi eq, %eq3A_199, %iota3A : vector<64x256xi32>
    %convert_element_type3A_201 = arith.extui %eq3A_200 : vector<64x256xi1> to vector<64x256xi32>
    %convert_element_type3A_202 = arith.sitofp %convert_element_type3A_201 : vector<64x256xi32> to vector<64x256xf32>
    %slice3A_203 = vector.extract_strided_slice %slice3A_197 {offsets = [0, 0], sizes = [256, 32], strides = [1, 1]} : vector<256x128xf32> to vector<256x32xf32>
    %dot_general3A_204 = arith.constant dense<0.000000e+00> : vector<64x32xf32>
    %dot_general3A_205 = tpu.matmul %convert_element_type3A_202, %slice3A_203, %dot_general3A_204 {dimension_numbers = #tpu.dot_dimension_numbers<[1], [0], [0], [1], [0, 0, 1, 1], [], []>, precision = #tpu.contract_precision<fp32>, transpose_lhs_hint = false} : vector<64x256xf32>, vector<256x32xf32>, vector<64x32xf32> -> vector<64x32xf32>
    %add3A_206 = arith.addf %add3A_192, %dot_general3A_205 : vector<64x32xf32>
    %reduce_sum3A_207 = arith.constant dense<0.000000e+00> : vector<64xf32>
    %reduce_sum3A_208 = vector.multi_reduction <add>, %convert_element_type3A_202, %reduce_sum3A_207 [1] : vector<64x256xf32> to vector<64xf32>
    %broadcast_in_dim3A_209 = vector.shape_cast %reduce_sum3A_208 : vector<64xf32> to vector<64x1xf32>
    %add3A_210 = arith.addf %add3A_196, %broadcast_in_dim3A_209 : vector<64x1xf32>
    %slice3A_211 = vector.extract_strided_slice %get3A_34 {offsets = [13, 0], sizes = [1, 256], strides = [1, 1]} : vector<16x256xi32> to vector<1x256xi32>
    %eq3A_212 = vector.broadcast %slice3A_211 : vector<1x256xi32> to vector<64x256xi32>
    %eq3A_213 = arith.cmpi eq, %eq3A_212, %iota3A : vector<64x256xi32>
    %convert_element_type3A_214 = arith.extui %eq3A_213 : vector<64x256xi1> to vector<64x256xi32>
    %convert_element_type3A_215 = arith.sitofp %convert_element_type3A_214 : vector<64x256xi32> to vector<64x256xf32>
    %slice3A_216 = vector.extract_strided_slice %slice3A_197 {offsets = [0, 32], sizes = [256, 32], strides = [1, 1]} : vector<256x128xf32> to vector<256x32xf32>
    %dot_general3A_217 = arith.constant dense<0.000000e+00> : vector<64x32xf32>
    %dot_general3A_218 = tpu.matmul %convert_element_type3A_215, %slice3A_216, %dot_general3A_217 {dimension_numbers = #tpu.dot_dimension_numbers<[1], [0], [0], [1], [0, 0, 1, 1], [], []>, precision = #tpu.contract_precision<fp32>, transpose_lhs_hint = false} : vector<64x256xf32>, vector<256x32xf32>, vector<64x32xf32> -> vector<64x32xf32>
    %add3A_219 = arith.addf %add3A_206, %dot_general3A_218 : vector<64x32xf32>
    %reduce_sum3A_220 = arith.constant dense<0.000000e+00> : vector<64xf32>
    %reduce_sum3A_221 = vector.multi_reduction <add>, %convert_element_type3A_215, %reduce_sum3A_220 [1] : vector<64x256xf32> to vector<64xf32>
    %broadcast_in_dim3A_222 = vector.shape_cast %reduce_sum3A_221 : vector<64xf32> to vector<64x1xf32>
    %add3A_223 = arith.addf %add3A_210, %broadcast_in_dim3A_222 : vector<64x1xf32>
    %slice3A_224 = vector.extract_strided_slice %get3A_34 {offsets = [14, 0], sizes = [1, 256], strides = [1, 1]} : vector<16x256xi32> to vector<1x256xi32>
    %eq3A_225 = vector.broadcast %slice3A_224 : vector<1x256xi32> to vector<64x256xi32>
    %eq3A_226 = arith.cmpi eq, %eq3A_225, %iota3A : vector<64x256xi32>
    %convert_element_type3A_227 = arith.extui %eq3A_226 : vector<64x256xi1> to vector<64x256xi32>
    %convert_element_type3A_228 = arith.sitofp %convert_element_type3A_227 : vector<64x256xi32> to vector<64x256xf32>
    %slice3A_229 = vector.extract_strided_slice %slice3A_197 {offsets = [0, 64], sizes = [256, 32], strides = [1, 1]} : vector<256x128xf32> to vector<256x32xf32>
    %dot_general3A_230 = arith.constant dense<0.000000e+00> : vector<64x32xf32>
    %dot_general3A_231 = tpu.matmul %convert_element_type3A_228, %slice3A_229, %dot_general3A_230 {dimension_numbers = #tpu.dot_dimension_numbers<[1], [0], [0], [1], [0, 0, 1, 1], [], []>, precision = #tpu.contract_precision<fp32>, transpose_lhs_hint = false} : vector<64x256xf32>, vector<256x32xf32>, vector<64x32xf32> -> vector<64x32xf32>
    %add3A_232 = arith.addf %add3A_219, %dot_general3A_231 : vector<64x32xf32>
    %reduce_sum3A_233 = arith.constant dense<0.000000e+00> : vector<64xf32>
    %reduce_sum3A_234 = vector.multi_reduction <add>, %convert_element_type3A_228, %reduce_sum3A_233 [1] : vector<64x256xf32> to vector<64xf32>
    %broadcast_in_dim3A_235 = vector.shape_cast %reduce_sum3A_234 : vector<64xf32> to vector<64x1xf32>
    %add3A_236 = arith.addf %add3A_223, %broadcast_in_dim3A_235 : vector<64x1xf32>
    %slice3A_237 = vector.extract_strided_slice %get3A_34 {offsets = [15, 0], sizes = [1, 256], strides = [1, 1]} : vector<16x256xi32> to vector<1x256xi32>
    %eq3A_238 = vector.broadcast %slice3A_237 : vector<1x256xi32> to vector<64x256xi32>
    %eq3A_239 = arith.cmpi eq, %eq3A_238, %iota3A : vector<64x256xi32>
    %convert_element_type3A_240 = arith.extui %eq3A_239 : vector<64x256xi1> to vector<64x256xi32>
    %convert_element_type3A_241 = arith.sitofp %convert_element_type3A_240 : vector<64x256xi32> to vector<64x256xf32>
    %slice3A_242 = vector.extract_strided_slice %slice3A_197 {offsets = [0, 96], sizes = [256, 32], strides = [1, 1]} : vector<256x128xf32> to vector<256x32xf32>
    %dot_general3A_243 = arith.constant dense<0.000000e+00> : vector<64x32xf32>
    %dot_general3A_244 = tpu.matmul %convert_element_type3A_241, %slice3A_242, %dot_general3A_243 {dimension_numbers = #tpu.dot_dimension_numbers<[1], [0], [0], [1], [0, 0, 1, 1], [], []>, precision = #tpu.contract_precision<fp32>, transpose_lhs_hint = false} : vector<64x256xf32>, vector<256x32xf32>, vector<64x32xf32> -> vector<64x32xf32>
    %add3A_245 = arith.addf %add3A_232, %dot_general3A_244 : vector<64x32xf32>
    %reduce_sum3A_246 = arith.constant dense<0.000000e+00> : vector<64xf32>
    %reduce_sum3A_247 = vector.multi_reduction <add>, %convert_element_type3A_241, %reduce_sum3A_246 [1] : vector<64x256xf32> to vector<64xf32>
    %broadcast_in_dim3A_248 = vector.shape_cast %reduce_sum3A_247 : vector<64xf32> to vector<64x1xf32>
    %add3A_249 = arith.addf %add3A_236, %broadcast_in_dim3A_248 : vector<64x1xf32>
    %swap3A = arith.constant 0 : index
    %swap3A_250 = arith.constant 0 : index
    %swap3A_251 = vector.load %arg12[%swap3A, %swap3A_250] : memref<64x32xf32, #tpu.memory_space<vmem>>, vector<64x32xf32>
    tpu.vector_store %arg12[%swap3A, %swap3A_250], %add3A_245 {strides = array<i32>} : memref<64x32xf32, #tpu.memory_space<vmem>>, vector<64x32xf32>,
    %swap3A_252 = arith.constant 0 : index
    %swap3A_253 = arith.constant 0 : index
    %swap3A_254 = vector.load %arg13[%swap3A_252, %swap3A_253] : memref<64x1xf32, #tpu.memory_space<vmem>>, vector<64x1xf32>
    tpu.vector_store %arg13[%swap3A_252, %swap3A_253], %add3A_249 {strides = array<i32>} : memref<64x1xf32, #tpu.memory_space<vmem>>, vector<64x1xf32>,
    %eq3A_255 = arith.constant 24 : i32
    %eq3A_256 = arith.cmpi eq, %arg0, %eq3A_255 : i32
    %convert_element_type3A_257 = arith.extui %eq3A_256 : i1 to i32
    %cond3A_258 = arith.constant 0 : i32
    %cond3A_259 = arith.cmpi ne, %convert_element_type3A_257, %cond3A_258 : i32
    scf.if %cond3A_259 {
      %max3A_260 = arith.constant 1.000000e+00 : f32
      %max3A_261 = vector.broadcast %max3A_260 : f32 to vector<64x1xf32>
      %max3A_262 = arith.maximumf %add3A_249, %max3A_261 : vector<64x1xf32>
      %div3A = vector.broadcast %max3A_262 : vector<64x1xf32> to vector<64x32xf32>
      %div3A_263 = arith.divf %add3A_245, %div3A : vector<64x32xf32>
      %get3A_264 = arith.constant 0 : index
      %get3A_265 = arith.constant 0 : index
      %get3A_266 = vector.load %arg9[%get3A_264, %get3A_265] : memref<32x1xf32, #tpu.memory_space<vmem>>, vector<32x1xf32>
      %dot_general3A_267 = arith.constant dense<0.000000e+00> : vector<64x1xf32>
      %dot_general3A_268 = tpu.matmul %div3A_263, %get3A_266, %dot_general3A_267 {dimension_numbers = #tpu.dot_dimension_numbers<[1], [0], [0], [1], [0, 0, 1, 1], [], []>, precision = #tpu.contract_precision<fp32>, transpose_lhs_hint = false} : vector<64x32xf32>, vector<32x1xf32>, vector<64x1xf32> -> vector<64x1xf32>
      %get3A_269 = arith.constant 0 : index
      %get3A_270 = arith.constant 0 : index
      %get3A_271 = vector.load %arg10[%get3A_269, %get3A_270] : memref<1x1xf32, #tpu.memory_space<vmem>>, vector<1x1xf32>
      %add3A_272 = vector.broadcast %get3A_271 : vector<1x1xf32> to vector<64x1xf32>
      %add3A_273 = arith.addf %dot_general3A_268, %add3A_272 : vector<64x1xf32>
      %logistic3A = arith.negf %add3A_273 : vector<64x1xf32>
      %logistic3A_274 = math.exp %logistic3A : vector<64x1xf32>
      %logistic3A_275 = arith.constant 1.000000e+00 : f32
      %logistic3A_276 = vector.broadcast %logistic3A_275 : f32 to vector<64x1xf32>
      %logistic3A_277 = arith.addf %logistic3A_276, %logistic3A_274 : vector<64x1xf32>
      %logistic3A_278 = arith.divf %logistic3A_276, %logistic3A_277 : vector<64x1xf32>
      %swap3A_279 = arith.constant 0 : index
      %swap3A_280 = arith.constant 0 : index
      %swap3A_281 = vector.load %arg11[%swap3A_279, %swap3A_280] : memref<64x1xf32, #tpu.memory_space<vmem>>, vector<64x1xf32>
      tpu.vector_store %arg11[%swap3A_279, %swap3A_280], %logistic3A_278 {strides = array<i32>} : memref<64x1xf32, #tpu.memory_space<vmem>>, vector<64x1xf32>,
    } else {
    }
    return
  }
  func.func @transform_0(%arg0: i32) -> (i32, i32) {
    %c0_i32 = arith.constant 0 : i32
    %c0_i32_0 = arith.constant 0 : i32
    return %arg0, %c0_i32 : i32, i32
  }
  func.func @transform_1(%arg0: i32) -> (i32, i32) {
    %add3A = arith.constant 25 : i32
    %add3A_0 = arith.addi %arg0, %add3A : i32
    %c0_i32 = arith.constant 0 : i32
    %c0_i32_1 = arith.constant 0 : i32
    return %add3A_0, %c0_i32 : i32, i32
  }
  func.func @transform_2(%arg0: i32) -> (i32, i32) {
    %c0_i32 = arith.constant 0 : i32
    %c0_i32_0 = arith.constant 0 : i32
    return %arg0, %c0_i32 : i32, i32
  }
  func.func @transform_3(%arg0: i32) -> (i32, i32) {
    %c0_i32 = arith.constant 0 : i32
    %c0_i32_0 = arith.constant 0 : i32
    return %arg0, %c0_i32 : i32, i32
  }
  func.func @transform_4(%arg0: i32) -> (i32, i32) {
    %c0_i32 = arith.constant 0 : i32
    %c0_i32_0 = arith.constant 0 : i32
    return %arg0, %c0_i32 : i32, i32
  }
  func.func @transform_5(%arg0: i32) -> (i32, i32) {
    %c0_i32 = arith.constant 0 : i32
    %c0_i32_0 = arith.constant 0 : i32
    return %c0_i32, %arg0 : i32, i32
  }
  func.func @transform_6(%arg0: i32) -> (i32, i32) {
    %c0_i32 = arith.constant 0 : i32
    %c0_i32_0 = arith.constant 0 : i32
    %c0_i32_1 = arith.constant 0 : i32
    return %c0_i32, %c0_i32_0 : i32, i32
  }
  func.func @transform_7(%arg0: i32) -> (i32, i32) {
    %c0_i32 = arith.constant 0 : i32
    %c0_i32_0 = arith.constant 0 : i32
    %c0_i32_1 = arith.constant 0 : i32
    return %c0_i32, %c0_i32_0 : i32, i32
  }
  func.func @transform_8(%arg0: i32) -> (i32, i32) {
    %c0_i32 = arith.constant 0 : i32
    %c0_i32_0 = arith.constant 0 : i32
    %c0_i32_1 = arith.constant 0 : i32
    return %c0_i32, %c0_i32_0 : i32, i32
  }
  func.func @transform_9(%arg0: i32) -> (i32, i32) {
    %c0_i32 = arith.constant 0 : i32
    %c0_i32_0 = arith.constant 0 : i32
    %c0_i32_1 = arith.constant 0 : i32
    return %c0_i32, %c0_i32_0 : i32, i32
  }
  func.func @transform_10(%arg0: i32) -> (i32, i32) {
    %c0_i32 = arith.constant 0 : i32
    %c0_i32_0 = arith.constant 0 : i32
    %c0_i32_1 = arith.constant 0 : i32
    return %c0_i32, %c0_i32_0 : i32, i32
  }
}

</mosaic_0001>

<sc_bundles>
// kernel: kernel.11.cloned.1.call-start
scs
__scs_entry_jumppad:
0x0: {  	(pc) =	sbr.rel $0x88, $3  }
0x1: {  	(tag) =	ssettag $0x0;
	lr =	simm.s32 $0x1  }
0x2: {  	[smem:$0x3F98] =	sst lr;
	_ =	strace $0xD0000000  }
0x3: {  	_ = 	snop  }
0x4: {  	_ = 	snop  }
0x5: {  	_ = 	snop  }
0x6: {  	_ = 	snop  }
0x7: {  	_ = 	snop  }
__scs_overlays_trampoline_lowered:
0x8: {  	[smem:$0x3FA7] =	sst s0  }
0x9: {  	[smem:$0x3FA8] =	sst s1  }
0xa: {  	[smem:$0x3FA9] =	sst s2  }
0xb: {  	[smem:$0x3FAA] =	sst s3  }
0xc: {  	[smem:$0x3FAB] =	sst s4  }
0xd: {  	[smem:$0x3FAC] =	sst s5  }
0xe: {  	[smem:$0x3FAD] =	sst s6  }
0xf: {  	[smem:$0x3FAE] =	sst s7  }
0x10: {  	[smem:$0x3FAF] =	sst s8  }
0x11: {  	[smem:$0x3FB0] =	sst s9;
	s0 =	simm.s32 @!p0 $0x0  }
0x12: {  	s1 =	sld [smem:$0x3F96];
	s0 =	simm.s32 @p0 $0x1  }
0x13: {  	[smem:$0x3FB1] =	sst s0;
	s0 =	simm.s32 @!p1 $0x0  }
0x14: {  	s2 =	sld [smem:$0x3F95];
	s0 =	simm.s32 @p1 $0x1  }
0x15: {  	[smem:$0x3FB2] =	sst s0;
	s0 =	simm.s32 @!p2 $0x0  }
0x16: {  	s3 =	sld [smem:$0x3FDB];
	s0 =	simm.s32 @p2 $0x1  }
0x17: {  	s4 =	simm.s32 $0x1BF5;
	[smem:$0x3FB4] =	sst s0  }
0x18: {  	s0 =	sld [smem:$0x3F97];
	_ =	swait.ge [sflag:s4], $0x0  }
0x19: {  	s7 =	sld [smem:$0x3F98]  }
0x1a: {  	s8 =	sadd.s32 $0xFFFFE003, lr  }
0x1b: {  	s9 =	sadd.s32 $0xFFFFFEF7, lr;
	s5 =	simm.s32 $0xFFFFFFFF;
	p2 =	slt.u32 s8, $0xFFFFF086  }
0x1c: {  	p1 =	slt.u32 s9, $0xF7A;
	s5 =	simm.s32 @!p2 $0x0  }
0x1d: {  	s5 =	simm.s32 @p1 $0x1;
	p0 =	seq.s32 s7, s2  }
0x1e: {  	s7 =	smul.u32 @!p0 $0xF7A, s2;
	p2 =	seq.s32 @!p0 s5, $0x0  }
0x1f: {  	s9 =	smul.u32 $0xF7A, s1;
	s8 =	simm.s32 @!p0 $0x1BF5;
	p2 =	por !p2, p0  }
0x20: {  	[sflag:s8] =	ssyncset.s32 @!p0 $0xFFFFF086;
	s6 =	sadd.s32 @!p0 s3, s7;
	s7 =	simm.s32 @!p0 $0x108  }
0x21: {  	s3 =	sadd.s32 s3, s9;
	s6 =	sadd.s32 @!p0 $0x88, s6;
	s7 =	simm.s32 @p2 $0x1082  }
0x22: {  	[simem:s7], [sflag:s8] =	dma.local @!p0 [hbm:s6], $0xF7A  }
0x23: {  	s9 =	sor.u32 $0xD0000000, s2;
	s6 =	simm.s32 $0x108;
	_ =	swait.ge @!p0 [sflag:s8], $0x0  }
0x24: {  	s3 =	sadd.s32 $0x88, s3;
	s6 =	simm.s32 @!p1 $0x1082;
	[sflag:s4] =	ssyncset.s32 $0xFFFFF086  }
0x25: {  	[simem:s6], [sflag:s4] =	dma.local [hbm:s3], $0xF7A  }
0x26: {  	[smem:$0x3F98] =	sst s1;
	(tag) =	ssettag s2;
	_ =	strace s9  }
0x27: {  	s1 =	sld [smem:$0x3FA8]  }
0x28: {  	s2 =	sld [smem:$0x3FA9]  }
0x29: {  	s4 =	sld [smem:$0x3FAB]  }
0x2a: {  	p0 =	seq.s32 s5, $0x0;
	s5 =	sld [smem:$0x3FAC]  }
0x2b: {  	s6 =	sld [smem:$0x3FAD]  }
0x2c: {  	s7 =	sld [smem:$0x3FAE]  }
0x2d: {  	s3 =	simm.s32 $0x108;
	s8 =	sld [smem:$0x3FAF]  }
0x2e: {  	s3 =	simm.s32 @!p0 $0x1082;
	s9 =	sld [smem:$0x3FB0]  }
0x2f: {  	lr =	sadd.s32 s0, s3;
	s0 =	sld [smem:$0x3FA7]  }
0x30: {  	s3 =	sld [smem:$0x3FAA]  }
0x31: {  	[smem:$0x3FB3] =	sst s10  }
0x32: {  	s10 =	sld [smem:$0x3FB1];
	_ =	sdelay $0x3  }
0x33: {  	p0 =	seq.s32 s10, $0x1;
	s10 =	sld [smem:$0x3FB3];
	_ =	sdelay $0x3  }
0x34: {  	[smem:$0x3FB3] =	sst s10  }
0x35: {  	s10 =	sld [smem:$0x3FB2];
	_ =	sdelay $0x3  }
0x36: {  	p1 =	seq.s32 s10, $0x1;
	s10 =	sld [smem:$0x3FB3];
	_ =	sdelay $0x3  }
0x37: {  	[smem:$0x3FB3] =	sst s10  }
0x38: {  	s10 =	sld [smem:$0x3FB4]  }
0x39: {  	_ = 	snop;
	(pc) =	sbr.ind lr, $3  }
0x3a: {  	_ = 	snop  }
0x3b: {  	_ = 	snop  }
0x3c: {  	p2 =	seq.s32 s10, $0x1;
	s10 =	sld [smem:$0x3FB3]  }
0x3d: {  	_ =	shalt  }
0x3e: {  	_ =	shalt  }
0x3f: {  	_ =	shalt  }
0x40: {  	_ =	shalt  }
0x41: {  	_ =	shalt  }
0x42: {  	_ =	shalt  }
0x43: {  	_ =	shalt  }
0x44: {  	_ =	shalt  }
0x45: {  	_ =	shalt  }
0x46: {  	_ =	shalt  }
0x47: {  	_ =	shalt  }
0x48: {  	_ =	shalt  }
0x49: {  	_ =	shalt  }
0x4a: {  	_ =	shalt  }
0x4b: {  	_ =	shalt  }
0x4c: {  	_ =	shalt  }
0x4d: {  	_ =	shalt  }
0x4e: {  	_ =	shalt  }
0x4f: {  	_ =	shalt  }
0x50: {  	_ =	shalt  }
0x51: {  	_ =	shalt  }
0x52: {  	_ =	shalt  }
0x53: {  	_ =	shalt  }
0x54: {  	_ =	shalt  }
0x55: {  	_ =	shalt  }
0x56: {  	_ =	shalt  }
0x57: {  	_ =	shalt  }
0x58: {  	_ =	shalt  }
0x59: {  	_ =	shalt  }
0x5a: {  	_ =	shalt  }
0x5b: {  	_ =	shalt  }
0x5c: {  	_ =	shalt  }
0x5d: {  	_ =	shalt  }
0x5e: {  	_ =	shalt  }
0x5f: {  	_ =	shalt  }
0x60: {  	_ =	shalt  }
0x61: {  	_ =	shalt  }
0x62: {  	_ =	shalt  }
0x63: {  	_ =	shalt  }
0x64: {  	_ =	shalt  }
0x65: {  	_ =	shalt  }
0x66: {  	_ =	shalt  }
0x67: {  	_ =	shalt  }
0x68: {  	_ =	shalt  }
0x69: {  	_ =	shalt  }
0x6a: {  	_ =	shalt  }
0x6b: {  	_ =	shalt  }
0x6c: {  	_ =	shalt  }
0x6d: {  	_ =	shalt  }
0x6e: {  	_ =	shalt  }
0x6f: {  	_ =	shalt  }
0x70: {  	_ =	shalt  }
0x71: {  	_ =	shalt  }
0x72: {  	_ =	shalt  }
0x73: {  	_ =	shalt  }
0x74: {  	_ =	shalt  }
0x75: {  	_ =	shalt  }
0x76: {  	_ =	shalt  }
0x77: {  	_ =	shalt  }
0x78: {  	_ =	shalt  }
0x79: {  	_ =	shalt  }
0x7a: {  	_ =	shalt  }
0x7b: {  	_ =	shalt  }
0x7c: {  	_ =	shalt  }
0x7d: {  	_ =	shalt  }
0x7e: {  	_ =	shalt  }
0x7f: {  	_ =	shalt  }
0x80: {  	_ =	shalt  }
0x81: {  	_ =	shalt  }
0x82: {  	_ =	shalt  }
0x83: {  	_ =	shalt  }
0x84: {  	_ =	shalt  }
0x85: {  	_ =	shalt  }
0x86: {  	_ =	shalt  }
0x87: {  	_ =	shalt  }
.Lfunc_end0:
.L_simem_size_0:
called_computation.1_lowered:
.L_overlay_start_0:
0x88: {  	s2 =	sld [smem:$0x3FD9]  }
0x89: {  	s3 =	sld [smem:$0x3FFE];
	_ =	sdelay $0x1  }
0x8a: {  	s1 =	srdreg.scid  }
0x8b: {  	s0 =	sand.u32 $0x1, s1  }
0x8c: {  	s16 =	sshll.u32 s0, $0xA;
	s2 =	sadd.s32 s3, s2  }
0x8d: {  	s2 =	sadd.s32 s2, s16  }
0x8e: {  	[smem:$0x3FBF] =	sst s2  }
0x8f: {  	_ = 	snop  }
0x90: {  	(tm) =	ssettm $0x1  }
0x91: {  	s17 =	sld [smem:$0x3FFB];
	_ =	sdelay $0x3  }
0x92: {  	_ =	strace s17  }
0x93: {  	s2 =	sld [smem:$0x3FFC];
	_ =	sdelay $0x3  }
0x94: {  	_ =	strace s2  }
0x95: {  	s2 =	sld [smem:$0x3FFD];
	_ =	sdelay $0x3  }
0x96: {  	_ =	strace s2  }
0x97: {  	_ =	strace $0x8FFFFFFF  }
0x98: {  	s18 =	sld [smem:$0x3FDB];
	_ =	sdelay $0x1  }
0x99: {  	s19 =	simm.s32 $_scs_section_size  }
0x9a: {  	s4 =	simm.s32 $_size__tile_overlayer_lowered;
	s5 =	simm.s32 $_tile_overlayer_lowered  }
0x9b: {  	s22 =	simm.s32 $0x1BFF;
	s21 =	sshll.u32 s5, $0x1;
	s2 =	sadd.s32 s19, s18  }
0x9c: {  	s6 =	simm.s32 $0x0;
	s20 =	sshll.u32 s4, $0x1;
	s4 =	sadd.s32 s21, s2  }
0x9d: {  	[timem:s6], [sflag:s22] =	dma.local [hbm:s4], s20  }
0x9e: {  	_ =	swait.ge [sflag:s22], s20  }
0x9f: {  	s3 =	ssub.s32 $0x0, s20;
	[sflag:s22] =	ssyncset.done $0x0  }
0xa0: {  	[sflag:s22] =	ssyncadd.s32 s3;
	_ =	sdelay $0x1  }
0xa1: {  	s23 =	simm.s32 $0x1B8B  }
0xa2: {  	_ =	swait.ge [sflag:s23], $0x1  }
0xa3: {  	[sflag:s23] =	ssyncset.done $0x0  }
0xa4: {  	s25 =	simm.s32 $0x1B8E;
	s24 =	sld [smem:$0x3FFE];
	[sflag:s23] =	ssyncadd.s32 $0xFFFFFFFF  }
0xa5: {  	s26 =	simm.s32 $execute0_lowered;
	[smem:$0x3FD2] =	sst s25  }
0xa6: {  	s4 =	sshll.u32 s26, $0x1;
	_ =	strace $0x80000049;
	[dreg:$0x1] =	wrdreg $0xFFFFFFFF  }
0xa7: {  	s28 =	simm.s32 $_size_execute0_lowered;
	s2 =	sadd.s32 s2, s4;
	[dreg:$0x0] =	wrdreg $0x0  }
0xa8: {  	s4 =	sshll.u32 s28, $0x1;
	[dreg:$0x2] =	wrdreg s2  }
0xa9: {  	[dreg:$0x3] =	wrdreg s4  }
0xaa: {  	[dreg:$0x4] =	wrdreg $0xC0  }
0xab: {  	_ =	task [dreg:s6], $0x5FFFF  }
0xac: {  	[dreg:$0x1] =	wrdreg $0xFFFFFFFF  }
0xad: {  	[dreg:$0x0] =	wrdreg $0x60  }
0xae: {  	[dreg:$0x2] =	wrdreg s24  }
0xaf: {  	[dreg:$0x3] =	wrdreg $0xC3500  }
0xb0: {  	[dreg:$0x4] =	wrdreg $0x9  }
0xb1: {  	_ =	task.clear_ibuf [dreg:s6], $0x5FFFF;
	_ =	strace $0x90000049  }
0xb2: {  	s29 =	simm.s32 $0x9;
	_ =	strace $0x8000004B  }
0xb3: {  	_ =	swait.ge [sflag:s29], $0x1  }
0xb4: {  	[sflag:s29] =	ssyncadd.s32 $0xFFFFFFFF  }
0xb5: {  	_ =	strace $0x9000004B  }
0xb6: {  	_ =	sfence  }
0xb7: {  	s30 =	sld [smem:$0x0];
	_ =	sdelay $0x2  }
0xb8: {  	s31 =	sshll.u32 s1, $0xD;
	s1 =	sshrl.u32 s1, $0x2  }
0xb9: {  	s3 =	sand.u32 $0x4000, s31;
	s1 =	sadd.s32 s1, s30  }
0xba: {  	s0 =	sor.u32 s3, s0;
	s1 =	sshll.u32 s1, $0x11  }
0xbb: {  	s0 =	sor.u32 s1, s0  }
0xbc: {  	s0 =	sadd.s32 $0x8F2B, s0  }
0xbd: {  	[sflag:s0] =	ssyncadd.remote.s32 $0x1  }
0xbe: {  	_ =	sfence.sel $0xFFFF  }
0xbf: {  	[dreg:$0x0] =	wrdreg $0xFFFFFFFF;
	(pc) =	sbr.abs _section_cstart, $3  }
0xc0: {  	[dreg:$0x1] =	wrdreg $0xFFFFFFFF  }
0xc1: {  	_ =	task.clear_ibuf [dreg:s6], $0x2FFFF;
	_ =	strace $0x9FFFFFFF  }
0xc2: {  	(tm) =	ssettm $0x7FFFFFFF  }
0xc3: {  	_ =	shalt  }
tec
execute0_lowered:
.L_overlay_start_1:
0x0: {  	(tag) =	ssettag $0x1  }
0x1: {  	s1 =	srdreg.scid;
	s5 =	rddreg [dreg:$0x0]  }
0x2: {  	s0 =	stileid.u32;
	s2 =	rddreg [dreg:$0x1];
	s3 =	simm.s32 $0x0  }
0x3: {  	s13 =	simm.s32 $0x1388;
	s14 =	simm.s32 $0x2710;
	s4 =	smul.u32 $0x30D40, s0  }
0x4: {  	s6 =	sand.u32 $0x1, s1;
	s1 =	rddreg [dreg:$0x2];
	s29 =	smul.u32 $0xC800, s0  }
0x5: {  	s15 =	simm.s32 $0x0;
	[smem:$0x7FF] =	sst s3;
	s7 =	smul.u32 $0x186A0, s6  }
0x6: {  	s31 =	sshll.u32 s0, $0x6;
	s9 =	smul.u32 $0xC8000, s6;
	s6 =	ssub.s32 $0x2, s6  }
0x7: {  	_ =	strace $0x8000004A;
	s30 =	sshrl.u32 s29, $0x3;
	s11 =	sshrl.u32 s6, $0x1  }
0x8: {  	s12 =	sadd.s32 s29, s2;
	s4 =	sadd.s32 s7, s4;
	s9 =	sadd.s32 s29, s9  }
0x9: {  	s11 =	ssub.s32 s6, s11;
	s6 =	sor.u32 $0x1C01, s31;
	s8 =	sshrl.u32 s4, $0x3  }
0xa: {  	s9 =	sshrl.u32 s9, $0x3;
	s10 =	sadd.s32 s8, s5;
	s8 =	sadd.s32 s30, s5  }
0xb: {  	s4 =	sadd.s32 $0xC7200, s5;
	s9 =	sadd.s32 s9, s5;
	s5 =	sadd.s32 $0xE0200, s8  }
0xc: {  	s7 =	sadd.s32 $0xF9200, s9;
	s8 =	smax.u32 s11, $0x1;
	s9 =	sadd.s32 $0x65600, s10  }
0xd: {  	s10 =	sadd.s32 $0x3A00, s10;
	s11 =	sshrl.u32 s12, $0x3;
	s12 =	simm.s32 $0x1  }
.LBB2_1:
0xe: {  	[spmem:s11], [sflag:s6] =	dma.local [hbm:s5], $0x1900  }
0xf: {  	_ =	swait.ge [sflag:s12], $0x1900  }
0x10: {  	[sflag:s12] =	ssyncset.done $0x0  }
0x11: {  	[sflag:s12] =	ssyncadd.s32 $0xFFFFE700  }
0x12: {  	s16 =	sadd.s32 $0x0, s10;
	[bflag:$0x0] =	sbarrier.arrive $0xFFFF  }
0x13: {  	[tilespmem:s3], [sflag:$0x1] =	stream.linear.gather [hbm4b:s16+s3], $0x1388, $0x38;
	[tilespmem:$0x18B50] =	vst v63  }
0x14: {  	_ =	swait.ge [sflag:s12], $0x1388  }
0x15: {  	[sflag:s12] =	ssyncset.done $0x0  }
0x16: {  	s31 =	sadd.s32 $0x0, s9;
	[sflag:s12] =	ssyncadd.s32 $0xFFFFEC78  }
0x17: {  	[tilespmem:s13], [sflag:$0x1] =	stream.linear.gather [hbm4b:s31+s3], $0x1388, $0x38;
	[tilespmem:$0x18B50] =	vst v63  }
0x18: {  	_ =	swait.ge [sflag:s12], $0x1388  }
0x19: {  	[sflag:s12] =	ssyncset.done $0x0  }
0x1a: {  	[sflag:s12] =	ssyncadd.s32 $0xFFFFEC78  }
0x1b: {  	[tilespmem:s14], [sflag:$0x1] =	stream.indirect.gather [hbm4b:s4+s13], $0x8, s3, s13, $0xb8;
	[tilespmem:$0x18B50] =	vst v63  }
0x1c: {  	_ =	swait.ge [sflag:s12], $0x9C40  }
0x1d: {  	[sflag:s12] =	ssyncset.done $0x0  }
0x1e: {  	[sflag:s12] =	ssyncadd.s32 $0xFFFF63C0  }
0x1f: {  	[spmem:s2] =	stream.indirect.scatter.add.f32 [tilespmem:s14], [sflag:$0x1], $0x8, s13, s13, $0xb8;
	[tilespmem:$0x18B50] =	vst v63  }
0x20: {  	_ =	swait.ge [sflag:s12], $0x9C40  }
0x21: {  	s17 =	simm.s32 $0x4E2;
	s16 =	simm.s32 $0x271;
	[sflag:s12] =	ssyncset.done $0x0  }
.LBB2_2:
0x22: {  	s18 =	sadd.s32 s16, s10  }
0x23: {  	[sflag:s12] =	ssyncadd.s32 $0xFFFF63C0;
	s19 =	smov.u32 s17;
	s20 =	sadd.s32 $0x271, s17  }
0x24: {  	[tilespmem:s3], [sflag:$0x1] =	stream.linear.gather [hbm4b:s18+s3], $0x1388, $0x38;
	[tilespmem:$0x18B50] =	vst v63  }
0x25: {  	p0 =	sne.s32 s17, $0x2E63;
	_ =	swait.ge [sflag:s12], $0x1388  }
0x26: {  	[sflag:s12] =	ssyncset.done $0x0  }
0x27: {  	s17 =	sadd.s32 s16, s9;
	s16 =	smov.u32 s19;
	[sflag:s12] =	ssyncadd.s32 $0xFFFFEC78  }
0x28: {  	[tilespmem:s13], [sflag:$0x1] =	stream.linear.gather [hbm4b:s17+s3], $0x1388, $0x38;
	[tilespmem:$0x18B50] =	vst v63  }
0x29: {  	_ =	swait.ge [sflag:s12], $0x1388  }
0x2a: {  	[sflag:s12] =	ssyncset.done $0x0  }
0x2b: {  	[sflag:s12] =	ssyncadd.s32 $0xFFFFEC78  }
0x2c: {  	[tilespmem:s14], [sflag:$0x1] =	stream.indirect.gather [hbm4b:s4+s13], $0x8, s3, s13, $0xb8;
	[tilespmem:$0x18B50] =	vst v63  }
0x2d: {  	_ =	swait.ge [sflag:s12], $0x9C40  }
.Ltmp0:
0x2e: {  	[sflag:s12] =	ssyncset.done $0x0;
	(pc) =	sbr.rel @p0 .LBB2_2-.Ltmp0, $4  }
0x2f: {  	[sflag:s12] =	ssyncadd.s32 $0xFFFF63C0  }
0x30: {  	[spmem:s2] =	stream.indirect.scatter.add.f32 [tilespmem:s14], [sflag:$0x1], $0x8, s13, s13, $0xb8;
	[tilespmem:$0x18B50] =	vst v63  }
0x31: {  	_ =	swait.ge [sflag:s12], $0x9C40  }
0x32: {  	s17 =	smov.u32 s20;
	[sflag:s12] =	ssyncset.done $0x0  }
0x33: {  	s17 =	sadd.s32 s16, s10;
	[sflag:s12] =	ssyncadd.s32 $0xFFFF63C0  }
0x34: {  	[tilespmem:s3], [sflag:$0x1] =	stream.linear.gather [hbm4b:s17+s3], $0x1388, $0x38;
	[tilespmem:$0x18B50] =	vst v63  }
0x35: {  	_ =	swait.ge [sflag:s12], $0x1388  }
0x36: {  	[sflag:s12] =	ssyncset.done $0x0  }
0x37: {  	s31 =	sadd.s32 s16, s9;
	[sflag:s12] =	ssyncadd.s32 $0xFFFFEC78  }
0x38: {  	[tilespmem:s13], [sflag:$0x1] =	stream.linear.gather [hbm4b:s31+s3], $0x1388, $0x38;
	[tilespmem:$0x18B50] =	vst v63  }
0x39: {  	_ =	swait.ge [sflag:s12], $0x1388  }
0x3a: {  	[sflag:s12] =	ssyncset.done $0x0  }
0x3b: {  	[sflag:s12] =	ssyncadd.s32 $0xFFFFEC78  }
0x3c: {  	[tilespmem:s14], [sflag:$0x1] =	stream.indirect.gather [hbm4b:s4+s13], $0x8, s3, s13, $0xb8;
	[tilespmem:$0x18B50] =	vst v63  }
0x3d: {  	_ =	swait.ge [sflag:s12], $0x9C40  }
0x3e: {  	[sflag:s12] =	ssyncset.done $0x0  }
0x3f: {  	[sflag:s12] =	ssyncadd.s32 $0xFFFF63C0  }
0x40: {  	[spmem:s2] =	stream.indirect.scatter.add.f32 [tilespmem:s14], [sflag:$0x1], $0x8, s13, s13, $0xb8;
	[tilespmem:$0x18B50] =	vst v63  }
0x41: {  	_ =	swait.ge [sflag:s12], $0x9C40  }
0x42: {  	s15 =	sadd.s32 $0x1, s15;
	[sflag:s12] =	ssyncset.done $0x0  }
0x43: {  	p0 =	sne.s32 s15, s8;
	[sflag:s12] =	ssyncadd.s32 $0xFFFF63C0  }
.Ltmp1:
0x44: {  	[bflag:$0x0] =	sbarrier.arrive $0xFFFF;
	(pc) =	sbr.rel @p0 .LBB2_1-.Ltmp1, $4  }
0x45: {  	[hbm:s7], [sflag:s6] =	dma.local [spmem:s11], $0x1900  }
0x46: {  	_ =	swait.ge [sflag:s12], $0x1900  }
0x47: {  	[sflag:s12] =	ssyncset.done $0x0  }
0x48: {  	[sflag:s12] =	ssyncadd.s32 $0xFFFFE700  }
0x49: {  	_ =	sfence.sel $0x180000  }
0x4a: {  	[bflag:$0x0] =	sbarrier.arrive $0xFFFF  }
0x4b: {  	p0 =	sne.s32 s0, $0x0;
	_ =	strace $0x9000004A  }
0x4c: {  	s0 =	sadd.s32 @!p0 $0x100000, s1;
	[bflag:$0x2] =	sbarrier.arrive $0xFFFF  }
0x4d: {  	[sflag:s0] =	ssyncadd.tile.s32 @!p0 $0x1;
	_ =	shalt  }
.Lfunc_end2:
_tile_overlayer_lowered:
.L_overlay_start_2:
0x4e: {  	(tag) =	ssettag $0x2  }
0x4f: {  	s0 =	rddreg [dreg:$0x0];
	s2 =	stileid.u32  }
0x50: {  	s1 =	rddreg [dreg:$0x1];
	p0 =	sne.s32 s2, $0x0  }
0x51: {  	s3 =	rddreg [dreg:$0x2];
	[bflag:$0x3] =	sbarrier.arrive $0xFFFF;
	s2 =	simm.s32 @!p0 $0x1C01  }
0x52: {  	[timem:s3], [sflag:s2] =	dma.local @!p0 [hbm:s0], s1  }
0x53: {  	s0 =	simm.s32 @!p0 $0x1  }
0x54: {  	_ =	swait.ge @!p0 [sflag:s0], s1  }
0x55: {  	s1 =	ssub.s32 @!p0 $0x0, s1;
	[sflag:s0] =	ssyncset.done @!p0 $0x0  }
0x56: {  	[sflag:s0] =	ssyncadd.s32 @!p0 s1  }
0x57: {  	[bflag:$0x3] =	sbarrier.arrive $0xFFFF  }
0x58: {  	_ =	shalt  }

// kernel: kernel.14.cloned.1.call-start
scs
__scs_entry_jumppad:
0x0: {  	(pc) =	sbr.rel $0x88, $3  }
0x1: {  	(tag) =	ssettag $0x0;
	lr =	simm.s32 $0x1  }
0x2: {  	[smem:$0x3F98] =	sst lr;
	_ =	strace $0xD0000000  }
0x3: {  	_ = 	snop  }
0x4: {  	_ = 	snop  }
0x5: {  	_ = 	snop  }
0x6: {  	_ = 	snop  }
0x7: {  	_ = 	snop  }
__scs_overlays_trampoline_lowered:
0x8: {  	[smem:$0x3FA7] =	sst s0  }
0x9: {  	[smem:$0x3FA8] =	sst s1  }
0xa: {  	[smem:$0x3FA9] =	sst s2  }
0xb: {  	[smem:$0x3FAA] =	sst s3  }
0xc: {  	[smem:$0x3FAB] =	sst s4  }
0xd: {  	[smem:$0x3FAC] =	sst s5  }
0xe: {  	[smem:$0x3FAD] =	sst s6  }
0xf: {  	[smem:$0x3FAE] =	sst s7  }
0x10: {  	[smem:$0x3FAF] =	sst s8  }
0x11: {  	[smem:$0x3FB0] =	sst s9;
	s0 =	simm.s32 @!p0 $0x0  }
0x12: {  	s1 =	sld [smem:$0x3F96];
	s0 =	simm.s32 @p0 $0x1  }
0x13: {  	[smem:$0x3FB1] =	sst s0;
	s0 =	simm.s32 @!p1 $0x0  }
0x14: {  	s2 =	sld [smem:$0x3F95];
	s0 =	simm.s32 @p1 $0x1  }
0x15: {  	[smem:$0x3FB2] =	sst s0;
	s0 =	simm.s32 @!p2 $0x0  }
0x16: {  	s3 =	sld [smem:$0x3FDB];
	s0 =	simm.s32 @p2 $0x1  }
0x17: {  	s4 =	simm.s32 $0x1BF5;
	[smem:$0x3FB4] =	sst s0  }
0x18: {  	s0 =	sld [smem:$0x3F97];
	_ =	swait.ge [sflag:s4], $0x0  }
0x19: {  	s7 =	sld [smem:$0x3F98]  }
0x1a: {  	s8 =	sadd.s32 $0xFFFFE003, lr  }
0x1b: {  	s9 =	sadd.s32 $0xFFFFFEF7, lr;
	s5 =	simm.s32 $0xFFFFFFFF;
	p2 =	slt.u32 s8, $0xFFFFF086  }
0x1c: {  	p1 =	slt.u32 s9, $0xF7A;
	s5 =	simm.s32 @!p2 $0x0  }
0x1d: {  	s5 =	simm.s32 @p1 $0x1;
	p0 =	seq.s32 s7, s2  }
0x1e: {  	s7 =	smul.u32 @!p0 $0xF7A, s2;
	p2 =	seq.s32 @!p0 s5, $0x0  }
0x1f: {  	s9 =	smul.u32 $0xF7A, s1;
	s8 =	simm.s32 @!p0 $0x1BF5;
	p2 =	por !p2, p0  }
0x20: {  	[sflag:s8] =	ssyncset.s32 @!p0 $0xFFFFF086;
	s6 =	sadd.s32 @!p0 s3, s7;
	s7 =	simm.s32 @!p0 $0x108  }
0x21: {  	s3 =	sadd.s32 s3, s9;
	s6 =	sadd.s32 @!p0 $0x88, s6;
	s7 =	simm.s32 @p2 $0x1082  }
0x22: {  	[simem:s7], [sflag:s8] =	dma.local @!p0 [hbm:s6], $0xF7A  }
0x23: {  	s9 =	sor.u32 $0xD0000000, s2;
	s6 =	simm.s32 $0x108;
	_ =	swait.ge @!p0 [sflag:s8], $0x0  }
0x24: {  	s3 =	sadd.s32 $0x88, s3;
	s6 =	simm.s32 @!p1 $0x1082;
	[sflag:s4] =	ssyncset.s32 $0xFFFFF086  }
0x25: {  	[simem:s6], [sflag:s4] =	dma.local [hbm:s3], $0xF7A  }
0x26: {  	[smem:$0x3F98] =	sst s1;
	(tag) =	ssettag s2;
	_ =	strace s9  }
0x27: {  	s1 =	sld [smem:$0x3FA8]  }
0x28: {  	s2 =	sld [smem:$0x3FA9]  }
0x29: {  	s4 =	sld [smem:$0x3FAB]  }
0x2a: {  	p0 =	seq.s32 s5, $0x0;
	s5 =	sld [smem:$0x3FAC]  }
0x2b: {  	s6 =	sld [smem:$0x3FAD]  }
0x2c: {  	s7 =	sld [smem:$0x3FAE]  }
0x2d: {  	s3 =	simm.s32 $0x108;
	s8 =	sld [smem:$0x3FAF]  }
0x2e: {  	s3 =	simm.s32 @!p0 $0x1082;
	s9 =	sld [smem:$0x3FB0]  }
0x2f: {  	lr =	sadd.s32 s0, s3;
	s0 =	sld [smem:$0x3FA7]  }
0x30: {  	s3 =	sld [smem:$0x3FAA]  }
0x31: {  	[smem:$0x3FB3] =	sst s10  }
0x32: {  	s10 =	sld [smem:$0x3FB1];
	_ =	sdelay $0x3  }
0x33: {  	p0 =	seq.s32 s10, $0x1;
	s10 =	sld [smem:$0x3FB3];
	_ =	sdelay $0x3  }
0x34: {  	[smem:$0x3FB3] =	sst s10  }
0x35: {  	s10 =	sld [smem:$0x3FB2];
	_ =	sdelay $0x3  }
0x36: {  	p1 =	seq.s32 s10, $0x1;
	s10 =	sld [smem:$0x3FB3];
	_ =	sdelay $0x3  }
0x37: {  	[smem:$0x3FB3] =	sst s10  }
0x38: {  	s10 =	sld [smem:$0x3FB4]  }
0x39: {  	_ = 	snop;
	(pc) =	sbr.ind lr, $3  }
0x3a: {  	_ = 	snop  }
0x3b: {  	_ = 	snop  }
0x3c: {  	p2 =	seq.s32 s10, $0x1;
	s10 =	sld [smem:$0x3FB3]  }
0x3d: {  	_ =	shalt  }
0x3e: {  	_ =	shalt  }
0x3f: {  	_ =	shalt  }
0x40: {  	_ =	shalt  }
0x41: {  	_ =	shalt  }
0x42: {  	_ =	shalt  }
0x43: {  	_ =	shalt  }
0x44: {  	_ =	shalt  }
0x45: {  	_ =	shalt  }
0x46: {  	_ =	shalt  }
0x47: {  	_ =	shalt  }
0x48: {  	_ =	shalt  }
0x49: {  	_ =	shalt  }
0x4a: {  	_ =	shalt  }
0x4b: {  	_ =	shalt  }
0x4c: {  	_ =	shalt  }
0x4d: {  	_ =	shalt  }
0x4e: {  	_ =	shalt  }
0x4f: {  	_ =	shalt  }
0x50: {  	_ =	shalt  }
0x51: {  	_ =	shalt  }
0x52: {  	_ =	shalt  }
0x53: {  	_ =	shalt  }
0x54: {  	_ =	shalt  }
0x55: {  	_ =	shalt  }
0x56: {  	_ =	shalt  }
0x57: {  	_ =	shalt  }
0x58: {  	_ =	shalt  }
0x59: {  	_ =	shalt  }
0x5a: {  	_ =	shalt  }
0x5b: {  	_ =	shalt  }
0x5c: {  	_ =	shalt  }
0x5d: {  	_ =	shalt  }
0x5e: {  	_ =	shalt  }
0x5f: {  	_ =	shalt  }
0x60: {  	_ =	shalt  }
0x61: {  	_ =	shalt  }
0x62: {  	_ =	shalt  }
0x63: {  	_ =	shalt  }
0x64: {  	_ =	shalt  }
0x65: {  	_ =	shalt  }
0x66: {  	_ =	shalt  }
0x67: {  	_ =	shalt  }
0x68: {  	_ =	shalt  }
0x69: {  	_ =	shalt  }
0x6a: {  	_ =	shalt  }
0x6b: {  	_ =	shalt  }
0x6c: {  	_ =	shalt  }
0x6d: {  	_ =	shalt  }
0x6e: {  	_ =	shalt  }
0x6f: {  	_ =	shalt  }
0x70: {  	_ =	shalt  }
0x71: {  	_ =	shalt  }
0x72: {  	_ =	shalt  }
0x73: {  	_ =	shalt  }
0x74: {  	_ =	shalt  }
0x75: {  	_ =	shalt  }
0x76: {  	_ =	shalt  }
0x77: {  	_ =	shalt  }
0x78: {  	_ =	shalt  }
0x79: {  	_ =	shalt  }
0x7a: {  	_ =	shalt  }
0x7b: {  	_ =	shalt  }
0x7c: {  	_ =	shalt  }
0x7d: {  	_ =	shalt  }
0x7e: {  	_ =	shalt  }
0x7f: {  	_ =	shalt  }
0x80: {  	_ =	shalt  }
0x81: {  	_ =	shalt  }
0x82: {  	_ =	shalt  }
0x83: {  	_ =	shalt  }
0x84: {  	_ =	shalt  }
0x85: {  	_ =	shalt  }
0x86: {  	_ =	shalt  }
0x87: {  	_ =	shalt  }
.Lfunc_end0:
.L_simem_size_0:
called_computation.2_lowered:
.L_overlay_start_0:
0x88: {  	s2 =	sld [smem:$0x3FD9]  }
0x89: {  	s3 =	sld [smem:$0x3FFE];
	_ =	sdelay $0x1  }
0x8a: {  	s1 =	srdreg.scid  }
0x8b: {  	s0 =	sand.u32 $0x1, s1  }
0x8c: {  	s16 =	sshll.u32 s0, $0xA;
	s2 =	sadd.s32 s3, s2  }
0x8d: {  	s2 =	sadd.s32 s2, s16  }
0x8e: {  	[smem:$0x3FBF] =	sst s2  }
0x8f: {  	_ = 	snop  }
0x90: {  	(tm) =	ssettm $0x1  }
0x91: {  	s17 =	sld [smem:$0x3FFB];
	_ =	sdelay $0x3  }
0x92: {  	_ =	strace s17  }
0x93: {  	s2 =	sld [smem:$0x3FFC];
	_ =	sdelay $0x3  }
0x94: {  	_ =	strace s2  }
0x95: {  	s2 =	sld [smem:$0x3FFD];
	_ =	sdelay $0x3  }
0x96: {  	_ =	strace s2  }
0x97: {  	_ =	strace $0x8FFFFFFF  }
0x98: {  	s18 =	sld [smem:$0x3FDB];
	_ =	sdelay $0x1  }
0x99: {  	s19 =	simm.s32 $_scs_section_size  }
0x9a: {  	s4 =	simm.s32 $_size__tile_overlayer_lowered;
	s5 =	simm.s32 $_tile_overlayer_lowered  }
0x9b: {  	s22 =	simm.s32 $0x1BFF;
	s21 =	sshll.u32 s5, $0x1;
	s2 =	sadd.s32 s19, s18  }
0x9c: {  	s6 =	simm.s32 $0x0;
	s20 =	sshll.u32 s4, $0x1;
	s4 =	sadd.s32 s21, s2  }
0x9d: {  	[timem:s6], [sflag:s22] =	dma.local [hbm:s4], s20  }
0x9e: {  	_ =	swait.ge [sflag:s22], s20  }
0x9f: {  	s3 =	ssub.s32 $0x0, s20;
	[sflag:s22] =	ssyncset.done $0x0  }
0xa0: {  	[sflag:s22] =	ssyncadd.s32 s3;
	_ =	sdelay $0x1  }
0xa1: {  	s23 =	simm.s32 $0x1B8B  }
0xa2: {  	_ =	swait.ge [sflag:s23], $0x1  }
0xa3: {  	[sflag:s23] =	ssyncset.done $0x0  }
0xa4: {  	s25 =	simm.s32 $0x1B8E;
	s24 =	sld [smem:$0x3FFE];
	[sflag:s23] =	ssyncadd.s32 $0xFFFFFFFF  }
0xa5: {  	s26 =	simm.s32 $execute0_lowered;
	[smem:$0x3FD2] =	sst s25  }
0xa6: {  	s4 =	sshll.u32 s26, $0x1;
	_ =	strace $0x8000004C;
	[dreg:$0x1] =	wrdreg $0xFFFFFFFF  }
0xa7: {  	s28 =	simm.s32 $_size_execute0_lowered;
	s2 =	sadd.s32 s2, s4;
	[dreg:$0x0] =	wrdreg $0x0  }
0xa8: {  	s4 =	sshll.u32 s28, $0x1;
	[dreg:$0x2] =	wrdreg s2  }
0xa9: {  	[dreg:$0x3] =	wrdreg s4  }
0xaa: {  	[dreg:$0x4] =	wrdreg $0xC0  }
0xab: {  	_ =	task [dreg:s6], $0x5FFFF  }
0xac: {  	[dreg:$0x1] =	wrdreg $0xFFFFFFFF  }
0xad: {  	[dreg:$0x0] =	wrdreg $0x60  }
0xae: {  	[dreg:$0x2] =	wrdreg s24  }
0xaf: {  	[dreg:$0x3] =	wrdreg $0xC3500  }
0xb0: {  	[dreg:$0x4] =	wrdreg $0x9  }
0xb1: {  	_ =	task.clear_ibuf [dreg:s6], $0x5FFFF;
	_ =	strace $0x9000004C  }
0xb2: {  	s29 =	simm.s32 $0x9;
	_ =	strace $0x8000004E  }
0xb3: {  	_ =	swait.ge [sflag:s29], $0x1  }
0xb4: {  	[sflag:s29] =	ssyncadd.s32 $0xFFFFFFFF  }
0xb5: {  	_ =	strace $0x9000004E  }
0xb6: {  	_ =	sfence  }
0xb7: {  	s30 =	sld [smem:$0x0];
	_ =	sdelay $0x2  }
0xb8: {  	s31 =	sshll.u32 s1, $0xD;
	s1 =	sshrl.u32 s1, $0x2  }
0xb9: {  	s3 =	sand.u32 $0x4000, s31;
	s1 =	sadd.s32 s1, s30  }
0xba: {  	s0 =	sor.u32 s3, s0;
	s1 =	sshll.u32 s1, $0x11  }
0xbb: {  	s0 =	sor.u32 s1, s0  }
0xbc: {  	s0 =	sadd.s32 $0x8F2B, s0  }
0xbd: {  	[sflag:s0] =	ssyncadd.remote.s32 $0x1  }
0xbe: {  	_ =	sfence.sel $0xFFFF  }
0xbf: {  	[dreg:$0x0] =	wrdreg $0xFFFFFFFF;
	(pc) =	sbr.abs _section_cstart, $3  }
0xc0: {  	[dreg:$0x1] =	wrdreg $0xFFFFFFFF  }
0xc1: {  	_ =	task.clear_ibuf [dreg:s6], $0x2FFFF;
	_ =	strace $0x9FFFFFFF  }
0xc2: {  	(tm) =	ssettm $0x7FFFFFFF  }
0xc3: {  	_ =	shalt  }
tec
execute0_lowered:
.L_overlay_start_1:
0x0: {  	(tag) =	ssettag $0x1  }
0x1: {  	s6 =	rddreg [dreg:$0x0]  }
0x2: {  	s2 =	rddreg [dreg:$0x1]  }
0x3: {  	s0 =	rddreg [dreg:$0x2]  }
0x4: {  	s1 =	stileid.u32;
	s4 =	srdreg.scid  }
0x5: {  	s3 =	simm.s32 $0x0;
	s15 =	simm.s32 $0x2710;
	s7 =	smul.u32 $0x61A8, s1  }
0x6: {  	s16 =	simm.s32 $0x0;
	s8 =	smul.u32 $0xC800, s1;
	s9 =	sand.u32 $0x1, s4  }
0x7: {  	[smem:$0x7FF] =	sst s3;
	s4 =	sadd.s32 $0xC7200, s6;
	s5 =	sadd.s32 $0xF9200, s6  }
0x8: {  	s31 =	sshll.u32 s1, $0x6;
	s10 =	smul.u32 $0xC8000, s9;
	_ =	strace $0x8000004D  }
0x9: {  	s12 =	ssub.s32 $0x2, s9;
	p0 =	seq.s32 s9, $0x1;
	s11 =	sadd.s32 s7, s6  }
0xa: {  	s29 =	sshrl.u32 s8, $0x3;
	s30 =	sshrl.u32 s12, $0x1;
	s14 =	sadd.s32 s8, s2  }
.Ltmp0:
0xb: {  	s28 =	sadd.s32 s8, s10;
	s12 =	ssub.s32 s12, s30;
	(pc) =	sbr.rel .LBB2_1-.Ltmp0, $4  }
0xc: {  	s10 =	sadd.s32 s29, s6;
	s7 =	sshrl.u32 s28, $0x3;
	s9 =	smax.u32 s12, $0x1  }
0xd: {  	s12 =	sshrl.u32 s14, $0x3;
	s14 =	simm.s32 $0x1388;
	s13 =	sadd.s32 s7, s6  }
0xe: {  	s6 =	sadd.s32 $0xE0200, s10;
	s7 =	sor.u32 $0x1C01, s31;
	s10 =	sadd.s32 $0x65600, s11  }
0xf: {  	s11 =	sadd.s32 $0x3A00, s11;
	s8 =	sadd.s32 $0x112200, s13;
	s13 =	simm.s32 $0x1  }
.LBB2_7:
0x10: {  	s18 =	sadd.s32 s17, s11;
	[sflag:s13] =	ssyncadd.s32 $0xFFFF63C0  }
0x11: {  	[tilespmem:s3], [sflag:$0x1] =	stream.linear.gather [hbm4b:s18+s3], $0x1388, $0x38;
	[tilespmem:$0x18B50] =	vst v63  }
0x12: {  	_ =	swait.ge [sflag:s13], $0x1388  }
0x13: {  	[sflag:s13] =	ssyncset.done $0x0  }
0x14: {  	s31 =	sadd.s32 s17, s10;
	[sflag:s13] =	ssyncadd.s32 $0xFFFFEC78  }
0x15: {  	[tilespmem:s14], [sflag:$0x1] =	stream.linear.gather [hbm4b:s31+s3], $0x1388, $0x38;
	[tilespmem:$0x18B50] =	vst v63  }
0x16: {  	_ =	swait.ge [sflag:s13], $0x1388  }
0x17: {  	[sflag:s13] =	ssyncset.done $0x0  }
0x18: {  	[sflag:s13] =	ssyncadd.s32 $0xFFFFEC78  }
0x19: {  	[tilespmem:s15], [sflag:$0x1] =	stream.indirect.gather [hbm4b:s5+s14], $0x8, s3, s14, $0xb8;
	[tilespmem:$0x18B50] =	vst v63  }
0x1a: {  	_ =	swait.ge [sflag:s13], $0x9C40  }
0x1b: {  	[sflag:s13] =	ssyncset.done $0x0  }
0x1c: {  	[sflag:s13] =	ssyncadd.s32 $0xFFFF63C0  }
0x1d: {  	[spmem:s2] =	stream.indirect.scatter.add.f32 [tilespmem:s15], [sflag:$0x1], $0x8, s14, s14, $0xb8;
	[tilespmem:$0x18B50] =	vst v63  }
0x1e: {  	_ =	swait.ge [sflag:s13], $0x9C40  }
0x1f: {  	[sflag:s13] =	ssyncset.done $0x0  }
0x20: {  	[sflag:s13] =	ssyncadd.s32 $0xFFFF63C0  }
.LBB2_8:
0x21: {  	s16 =	sadd.s32 $0x1, s16  }
0x22: {  	p1 =	sne.s32 s16, s9  }
.Ltmp1:
0x23: {  	[bflag:$0x0] =	sbarrier.arrive $0xFFFF;
	(pc) =	sbr.rel @!p1 .LBB2_9-.Ltmp1, $4  }
0x24: {  	[hbm:s8], [sflag:s7] =	dma.local [spmem:s12], $0x1900  }
0x25: {  	_ =	swait.ge [sflag:s13], $0x1900  }
0x26: {  	[sflag:s13] =	ssyncset.done $0x0  }
0x27: {  	[sflag:s13] =	ssyncadd.s32 $0xFFFFE700  }
.LBB2_1:
0x28: {  	[spmem:s12], [sflag:s7] =	dma.local [hbm:s6], $0x1900  }
.Ltmp2:
0x29: {  	_ =	swait.ge [sflag:s13], $0x1900;
	(pc) =	sbr.rel @!p0 .LBB2_2-.Ltmp2, $4  }
0x2a: {  	[sflag:s13] =	ssyncset.done $0x0  }
0x2b: {  	[sflag:s13] =	ssyncadd.s32 $0xFFFFE700  }
0x2c: {  	[bflag:$0x0] =	sbarrier.arrive $0xFFFF  }
0x2d: {  	s17 =	sadd.s32 $0x0, s11  }
0x2e: {  	[tilespmem:s3], [sflag:$0x1] =	stream.linear.gather [hbm4b:s17+s3], $0x1388, $0x38;
	[tilespmem:$0x18B50] =	vst v63  }
0x2f: {  	_ =	swait.ge [sflag:s13], $0x1388  }
0x30: {  	[sflag:s13] =	ssyncset.done $0x0  }
0x31: {  	s31 =	sadd.s32 $0x0, s10;
	[sflag:s13] =	ssyncadd.s32 $0xFFFFEC78  }
0x32: {  	[tilespmem:s14], [sflag:$0x1] =	stream.linear.gather [hbm4b:s31+s3], $0x1388, $0x38;
	[tilespmem:$0x18B50] =	vst v63  }
0x33: {  	_ =	swait.ge [sflag:s13], $0x1388  }
0x34: {  	[sflag:s13] =	ssyncset.done $0x0  }
0x35: {  	[sflag:s13] =	ssyncadd.s32 $0xFFFFEC78  }
0x36: {  	[tilespmem:s15], [sflag:$0x1] =	stream.indirect.gather [hbm4b:s5+s14], $0x8, s3, s14, $0xb8;
	[tilespmem:$0x18B50] =	vst v63  }
0x37: {  	_ =	swait.ge [sflag:s13], $0x9C40  }
0x38: {  	[sflag:s13] =	ssyncset.done $0x0  }
0x39: {  	[sflag:s13] =	ssyncadd.s32 $0xFFFF63C0  }
0x3a: {  	[spmem:s2] =	stream.indirect.scatter.add.f32 [tilespmem:s15], [sflag:$0x1], $0x8, s14, s14, $0xb8;
	[tilespmem:$0x18B50] =	vst v63  }
0x3b: {  	_ =	swait.ge [sflag:s13], $0x9C40  }
0x3c: {  	s17 =	simm.s32 $0x271;
	s18 =	simm.s32 $0x4E2;
	[sflag:s13] =	ssyncset.done $0x0  }
.LBB2_6:
0x3d: {  	s19 =	sadd.s32 s17, s11  }
0x3e: {  	[sflag:s13] =	ssyncadd.s32 $0xFFFF63C0;
	s20 =	smov.u32 s18;
	s21 =	sadd.s32 $0x271, s18  }
0x3f: {  	[tilespmem:s3], [sflag:$0x1] =	stream.linear.gather [hbm4b:s19+s3], $0x1388, $0x38;
	[tilespmem:$0x18B50] =	vst v63  }
0x40: {  	p1 =	sne.s32 s18, $0x5F37;
	_ =	swait.ge [sflag:s13], $0x1388  }
0x41: {  	[sflag:s13] =	ssyncset.done $0x0  }
0x42: {  	s18 =	sadd.s32 s17, s10;
	s17 =	smov.u32 s20;
	[sflag:s13] =	ssyncadd.s32 $0xFFFFEC78  }
0x43: {  	[tilespmem:s14], [sflag:$0x1] =	stream.linear.gather [hbm4b:s18+s3], $0x1388, $0x38;
	[tilespmem:$0x18B50] =	vst v63  }
0x44: {  	_ =	swait.ge [sflag:s13], $0x1388  }
0x45: {  	[sflag:s13] =	ssyncset.done $0x0  }
0x46: {  	[sflag:s13] =	ssyncadd.s32 $0xFFFFEC78  }
0x47: {  	[tilespmem:s15], [sflag:$0x1] =	stream.indirect.gather [hbm4b:s5+s14], $0x8, s3, s14, $0xb8;
	[tilespmem:$0x18B50] =	vst v63  }
0x48: {  	_ =	swait.ge [sflag:s13], $0x9C40  }
.Ltmp3:
0x49: {  	[sflag:s13] =	ssyncset.done $0x0;
	(pc) =	sbr.rel @p1 .LBB2_6-.Ltmp3, $4  }
0x4a: {  	[sflag:s13] =	ssyncadd.s32 $0xFFFF63C0  }
0x4b: {  	[spmem:s2] =	stream.indirect.scatter.add.f32 [tilespmem:s15], [sflag:$0x1], $0x8, s14, s14, $0xb8;
	[tilespmem:$0x18B50] =	vst v63  }
0x4c: {  	_ =	swait.ge [sflag:s13], $0x9C40  }
0x4d: {  	s18 =	smov.u32 s21;
	[sflag:s13] =	ssyncset.done $0x0  }
.Ltmp4:
0x4e: {  	_ = 	snop;
	(pc) =	sbr.rel .LBB2_7-.Ltmp4, $1  }
0x4f: {  	_ =	sdelay $0x3  }
.LBB2_2:
0x50: {  	[tilespmem:s3], [sflag:$0x1] =	stream.linear.gather [hbm4b:s17+s3], $0x1388, $0x38;
	[tilespmem:$0x18B50] =	vst v63  }
0x51: {  	_ =	swait.ge [sflag:s13], $0x1388  }
0x52: {  	[sflag:s13] =	ssyncset.done $0x0  }
0x53: {  	s31 =	sadd.s32 $0x0, s10;
	[sflag:s13] =	ssyncadd.s32 $0xFFFFEC78  }
0x54: {  	[tilespmem:s14], [sflag:$0x1] =	stream.linear.gather [hbm4b:s31+s3], $0x1388, $0x38;
	[tilespmem:$0x18B50] =	vst v63  }
0x55: {  	_ =	swait.ge [sflag:s13], $0x1388  }
0x56: {  	[sflag:s13] =	ssyncset.done $0x0  }
0x57: {  	[sflag:s13] =	ssyncadd.s32 $0xFFFFEC78  }
0x58: {  	[tilespmem:s15], [sflag:$0x1] =	stream.indirect.gather [hbm4b:s4+s14], $0x8, s3, s14, $0xb8;
	[tilespmem:$0x18B50] =	vst v63  }
0x59: {  	_ =	swait.ge [sflag:s13], $0x9C40  }
0x5a: {  	[sflag:s13] =	ssyncset.done $0x0  }
0x5b: {  	[sflag:s13] =	ssyncadd.s32 $0xFFFF63C0  }
0x5c: {  	[spmem:s2] =	stream.indirect.scatter.add.f32 [tilespmem:s15], [sflag:$0x1], $0x8, s14, s14, $0xb8;
	[tilespmem:$0x18B50] =	vst v63  }
0x5d: {  	_ =	swait.ge [sflag:s13], $0x9C40  }
0x5e: {  	s17 =	simm.s32 $0x271;
	s18 =	simm.s32 $0x4E2;
	[sflag:s13] =	ssyncset.done $0x0  }
.LBB2_3:
0x5f: {  	s19 =	sadd.s32 s17, s11  }
0x60: {  	[sflag:s13] =	ssyncadd.s32 $0xFFFF63C0;
	s20 =	smov.u32 s18;
	s21 =	sadd.s32 $0x271, s18  }
0x61: {  	[tilespmem:s3], [sflag:$0x1] =	stream.linear.gather [hbm4b:s19+s3], $0x1388, $0x38;
	[tilespmem:$0x18B50] =	vst v63  }
0x62: {  	p1 =	seq.s32 s18, $0x5F37;
	_ =	swait.ge [sflag:s13], $0x1388  }
0x63: {  	[sflag:s13] =	ssyncset.done $0x0  }
0x64: {  	s18 =	sadd.s32 s17, s10;
	s17 =	smov.u32 s20;
	[sflag:s13] =	ssyncadd.s32 $0xFFFFEC78  }
0x65: {  	[tilespmem:s14], [sflag:$0x1] =	stream.linear.gather [hbm4b:s18+s3], $0x1388, $0x38;
	[tilespmem:$0x18B50] =	vst v63  }
0x66: {  	_ =	swait.ge [sflag:s13], $0x1388  }
0x67: {  	[sflag:s13] =	ssyncset.done $0x0  }
0x68: {  	[sflag:s13] =	ssyncadd.s32 $0xFFFFEC78  }
0x69: {  	[tilespmem:s15], [sflag:$0x1] =	stream.indirect.gather [hbm4b:s4+s14], $0x8, s3, s14, $0xb8;
	[tilespmem:$0x18B50] =	vst v63  }
0x6a: {  	_ =	swait.ge [sflag:s13], $0x9C40  }
.Ltmp5:
0x6b: {  	[sflag:s13] =	ssyncset.done $0x0;
	(pc) =	sbr.rel @!p1 .LBB2_3-.Ltmp5, $4  }
0x6c: {  	[sflag:s13] =	ssyncadd.s32 $0xFFFF63C0  }
0x6d: {  	[spmem:s2] =	stream.indirect.scatter.add.f32 [tilespmem:s15], [sflag:$0x1], $0x8, s14, s14, $0xb8;
	[tilespmem:$0x18B50] =	vst v63  }
0x6e: {  	_ =	swait.ge [sflag:s13], $0x9C40  }
0x6f: {  	s18 =	smov.u32 s21;
	[sflag:s13] =	ssyncset.done $0x0  }
0x70: {  	s18 =	sadd.s32 s17, s11;
	[sflag:s13] =	ssyncadd.s32 $0xFFFF63C0  }
0x71: {  	[tilespmem:s3], [sflag:$0x1] =	stream.linear.gather [hbm4b:s18+s3], $0x1388, $0x38;
	[tilespmem:$0x18B50] =	vst v63  }
0x72: {  	_ =	swait.ge [sflag:s13], $0x1388  }
0x73: {  	[sflag:s13] =	ssyncset.done $0x0  }
0x74: {  	s31 =	sadd.s32 s17, s10;
	[sflag:s13] =	ssyncadd.s32 $0xFFFFEC78  }
0x75: {  	[tilespmem:s14], [sflag:$0x1] =	stream.linear.gather [hbm4b:s31+s3], $0x1388, $0x38;
	[tilespmem:$0x18B50] =	vst v63  }
0x76: {  	_ =	swait.ge [sflag:s13], $0x1388  }
0x77: {  	[sflag:s13] =	ssyncset.done $0x0  }
0x78: {  	[sflag:s13] =	ssyncadd.s32 $0xFFFFEC78  }
0x79: {  	[tilespmem:s15], [sflag:$0x1] =	stream.indirect.gather [hbm4b:s4+s14], $0x8, s3, s14, $0xb8;
	[tilespmem:$0x18B50] =	vst v63  }
0x7a: {  	_ =	swait.ge [sflag:s13], $0x9C40  }
0x7b: {  	[sflag:s13] =	ssyncset.done $0x0  }
.Ltmp6:
0x7c: {  	[sflag:s13] =	ssyncadd.s32 $0xFFFF63C0;
	(pc) =	sbr.rel .LBB2_8-.Ltmp6, $4  }
0x7d: {  	[spmem:s2] =	stream.indirect.scatter.add.f32 [tilespmem:s15], [sflag:$0x1], $0x8, s14, s14, $0xb8;
	[tilespmem:$0x18B50] =	vst v63  }
0x7e: {  	_ =	swait.ge [sflag:s13], $0x9C40  }
0x7f: {  	[sflag:s13] =	ssyncset.done $0x0  }
0x80: {  	[sflag:s13] =	ssyncadd.s32 $0xFFFF63C0  }
.LBB2_9:
0x81: {  	_ =	sfence.sel $0x180000  }
0x82: {  	[bflag:$0x0] =	sbarrier.arrive $0xFFFF  }
0x83: {  	p0 =	sne.s32 s1, $0x0;
	_ =	strace $0x9000004D  }
0x84: {  	s0 =	sadd.s32 @!p0 $0x100000, s0;
	[bflag:$0x2] =	sbarrier.arrive $0xFFFF  }
0x85: {  	[sflag:s0] =	ssyncadd.tile.s32 @!p0 $0x1;
	_ =	shalt  }
.Lfunc_end2:
_tile_overlayer_lowered:
.L_overlay_start_2:
0x86: {  	(tag) =	ssettag $0x2  }
0x87: {  	s0 =	rddreg [dreg:$0x0];
	s2 =	stileid.u32  }
0x88: {  	s1 =	rddreg [dreg:$0x1];
	p0 =	sne.s32 s2, $0x0  }
0x89: {  	s3 =	rddreg [dreg:$0x2];
	[bflag:$0x3] =	sbarrier.arrive $0xFFFF;
	s2 =	simm.s32 @!p0 $0x1C01  }
0x8a: {  	[timem:s3], [sflag:s2] =	dma.local @!p0 [hbm:s0], s1  }
0x8b: {  	s0 =	simm.s32 @!p0 $0x1  }
0x8c: {  	_ =	swait.ge @!p0 [sflag:s0], s1  }
0x8d: {  	s1 =	ssub.s32 @!p0 $0x0, s1;
	[sflag:s0] =	ssyncset.done @!p0 $0x0  }
0x8e: {  	[sflag:s0] =	ssyncadd.s32 @!p0 s1  }
0x8f: {  	[bflag:$0x3] =	sbarrier.arrive $0xFFFF  }
0x90: {  	_ =	shalt  }

// kernel: kernel.8.cloned.1.call-start
scs
__scs_entry_jumppad:
0x0: {  	(pc) =	sbr.rel $0x88, $3  }
0x1: {  	(tag) =	ssettag $0x0;
	lr =	simm.s32 $0x1  }
0x2: {  	[smem:$0x3F98] =	sst lr;
	_ =	strace $0xD0000000  }
0x3: {  	_ = 	snop  }
0x4: {  	_ = 	snop  }
0x5: {  	_ = 	snop  }
0x6: {  	_ = 	snop  }
0x7: {  	_ = 	snop  }
__scs_overlays_trampoline_lowered:
0x8: {  	[smem:$0x3FA7] =	sst s0  }
0x9: {  	[smem:$0x3FA8] =	sst s1  }
0xa: {  	[smem:$0x3FA9] =	sst s2  }
0xb: {  	[smem:$0x3FAA] =	sst s3  }
0xc: {  	[smem:$0x3FAB] =	sst s4  }
0xd: {  	[smem:$0x3FAC] =	sst s5  }
0xe: {  	[smem:$0x3FAD] =	sst s6  }
0xf: {  	[smem:$0x3FAE] =	sst s7  }
0x10: {  	[smem:$0x3FAF] =	sst s8  }
0x11: {  	[smem:$0x3FB0] =	sst s9;
	s0 =	simm.s32 @!p0 $0x0  }
0x12: {  	s1 =	sld [smem:$0x3F96];
	s0 =	simm.s32 @p0 $0x1  }
0x13: {  	[smem:$0x3FB1] =	sst s0;
	s0 =	simm.s32 @!p1 $0x0  }
0x14: {  	s2 =	sld [smem:$0x3F95];
	s0 =	simm.s32 @p1 $0x1  }
0x15: {  	[smem:$0x3FB2] =	sst s0;
	s0 =	simm.s32 @!p2 $0x0  }
0x16: {  	s3 =	sld [smem:$0x3FDB];
	s0 =	simm.s32 @p2 $0x1  }
0x17: {  	s4 =	simm.s32 $0x1BF5;
	[smem:$0x3FB4] =	sst s0  }
0x18: {  	s0 =	sld [smem:$0x3F97];
	_ =	swait.ge [sflag:s4], $0x0  }
0x19: {  	s7 =	sld [smem:$0x3F98]  }
0x1a: {  	s8 =	sadd.s32 $0xFFFFE003, lr  }
0x1b: {  	s9 =	sadd.s32 $0xFFFFFEF7, lr;
	s5 =	simm.s32 $0xFFFFFFFF;
	p2 =	slt.u32 s8, $0xFFFFF086  }
0x1c: {  	p1 =	slt.u32 s9, $0xF7A;
	s5 =	simm.s32 @!p2 $0x0  }
0x1d: {  	s5 =	simm.s32 @p1 $0x1;
	p0 =	seq.s32 s7, s2  }
0x1e: {  	s7 =	smul.u32 @!p0 $0xF7A, s2;
	p2 =	seq.s32 @!p0 s5, $0x0  }
0x1f: {  	s9 =	smul.u32 $0xF7A, s1;
	s8 =	simm.s32 @!p0 $0x1BF5;
	p2 =	por !p2, p0  }
0x20: {  	[sflag:s8] =	ssyncset.s32 @!p0 $0xFFFFF086;
	s6 =	sadd.s32 @!p0 s3, s7;
	s7 =	simm.s32 @!p0 $0x108  }
0x21: {  	s3 =	sadd.s32 s3, s9;
	s6 =	sadd.s32 @!p0 $0x88, s6;
	s7 =	simm.s32 @p2 $0x1082  }
0x22: {  	[simem:s7], [sflag:s8] =	dma.local @!p0 [hbm:s6], $0xF7A  }
0x23: {  	s9 =	sor.u32 $0xD0000000, s2;
	s6 =	simm.s32 $0x108;
	_ =	swait.ge @!p0 [sflag:s8], $0x0  }
0x24: {  	s3 =	sadd.s32 $0x88, s3;
	s6 =	simm.s32 @!p1 $0x1082;
	[sflag:s4] =	ssyncset.s32 $0xFFFFF086  }
0x25: {  	[simem:s6], [sflag:s4] =	dma.local [hbm:s3], $0xF7A  }
0x26: {  	[smem:$0x3F98] =	sst s1;
	(tag) =	ssettag s2;
	_ =	strace s9  }
0x27: {  	s1 =	sld [smem:$0x3FA8]  }
0x28: {  	s2 =	sld [smem:$0x3FA9]  }
0x29: {  	s4 =	sld [smem:$0x3FAB]  }
0x2a: {  	p0 =	seq.s32 s5, $0x0;
	s5 =	sld [smem:$0x3FAC]  }
0x2b: {  	s6 =	sld [smem:$0x3FAD]  }
0x2c: {  	s7 =	sld [smem:$0x3FAE]  }
0x2d: {  	s3 =	simm.s32 $0x108;
	s8 =	sld [smem:$0x3FAF]  }
0x2e: {  	s3 =	simm.s32 @!p0 $0x1082;
	s9 =	sld [smem:$0x3FB0]  }
0x2f: {  	lr =	sadd.s32 s0, s3;
	s0 =	sld [smem:$0x3FA7]  }
0x30: {  	s3 =	sld [smem:$0x3FAA]  }
0x31: {  	[smem:$0x3FB3] =	sst s10  }
0x32: {  	s10 =	sld [smem:$0x3FB1];
	_ =	sdelay $0x3  }
0x33: {  	p0 =	seq.s32 s10, $0x1;
	s10 =	sld [smem:$0x3FB3];
	_ =	sdelay $0x3  }
0x34: {  	[smem:$0x3FB3] =	sst s10  }
0x35: {  	s10 =	sld [smem:$0x3FB2];
	_ =	sdelay $0x3  }
0x36: {  	p1 =	seq.s32 s10, $0x1;
	s10 =	sld [smem:$0x3FB3];
	_ =	sdelay $0x3  }
0x37: {  	[smem:$0x3FB3] =	sst s10  }
0x38: {  	s10 =	sld [smem:$0x3FB4]  }
0x39: {  	_ = 	snop;
	(pc) =	sbr.ind lr, $3  }
0x3a: {  	_ = 	snop  }
0x3b: {  	_ = 	snop  }
0x3c: {  	p2 =	seq.s32 s10, $0x1;
	s10 =	sld [smem:$0x3FB3]  }
0x3d: {  	_ =	shalt  }
0x3e: {  	_ =	shalt  }
0x3f: {  	_ =	shalt  }
0x40: {  	_ =	shalt  }
0x41: {  	_ =	shalt  }
0x42: {  	_ =	shalt  }
0x43: {  	_ =	shalt  }
0x44: {  	_ =	shalt  }
0x45: {  	_ =	shalt  }
0x46: {  	_ =	shalt  }
0x47: {  	_ =	shalt  }
0x48: {  	_ =	shalt  }
0x49: {  	_ =	shalt  }
0x4a: {  	_ =	shalt  }
0x4b: {  	_ =	shalt  }
0x4c: {  	_ =	shalt  }
0x4d: {  	_ =	shalt  }
0x4e: {  	_ =	shalt  }
0x4f: {  	_ =	shalt  }
0x50: {  	_ =	shalt  }
0x51: {  	_ =	shalt  }
0x52: {  	_ =	shalt  }
0x53: {  	_ =	shalt  }
0x54: {  	_ =	shalt  }
0x55: {  	_ =	shalt  }
0x56: {  	_ =	shalt  }
0x57: {  	_ =	shalt  }
0x58: {  	_ =	shalt  }
0x59: {  	_ =	shalt  }
0x5a: {  	_ =	shalt  }
0x5b: {  	_ =	shalt  }
0x5c: {  	_ =	shalt  }
0x5d: {  	_ =	shalt  }
0x5e: {  	_ =	shalt  }
0x5f: {  	_ =	shalt  }
0x60: {  	_ =	shalt  }
0x61: {  	_ =	shalt  }
0x62: {  	_ =	shalt  }
0x63: {  	_ =	shalt  }
0x64: {  	_ =	shalt  }
0x65: {  	_ =	shalt  }
0x66: {  	_ =	shalt  }
0x67: {  	_ =	shalt  }
0x68: {  	_ =	shalt  }
0x69: {  	_ =	shalt  }
0x6a: {  	_ =	shalt  }
0x6b: {  	_ =	shalt  }
0x6c: {  	_ =	shalt  }
0x6d: {  	_ =	shalt  }
0x6e: {  	_ =	shalt  }
0x6f: {  	_ =	shalt  }
0x70: {  	_ =	shalt  }
0x71: {  	_ =	shalt  }
0x72: {  	_ =	shalt  }
0x73: {  	_ =	shalt  }
0x74: {  	_ =	shalt  }
0x75: {  	_ =	shalt  }
0x76: {  	_ =	shalt  }
0x77: {  	_ =	shalt  }
0x78: {  	_ =	shalt  }
0x79: {  	_ =	shalt  }
0x7a: {  	_ =	shalt  }
0x7b: {  	_ =	shalt  }
0x7c: {  	_ =	shalt  }
0x7d: {  	_ =	shalt  }
0x7e: {  	_ =	shalt  }
0x7f: {  	_ =	shalt  }
0x80: {  	_ =	shalt  }
0x81: {  	_ =	shalt  }
0x82: {  	_ =	shalt  }
0x83: {  	_ =	shalt  }
0x84: {  	_ =	shalt  }
0x85: {  	_ =	shalt  }
0x86: {  	_ =	shalt  }
0x87: {  	_ =	shalt  }
.Lfunc_end0:
.L_simem_size_0:
called_computation_lowered:
.L_overlay_start_0:
0x88: {  	s2 =	sld [smem:$0x3FD9]  }
0x89: {  	s3 =	sld [smem:$0x3FFE];
	_ =	sdelay $0x1  }
0x8a: {  	s1 =	srdreg.scid  }
0x8b: {  	s0 =	sand.u32 $0x1, s1  }
0x8c: {  	s16 =	sshll.u32 s0, $0xA;
	s2 =	sadd.s32 s3, s2  }
0x8d: {  	s2 =	sadd.s32 s2, s16  }
0x8e: {  	[smem:$0x3FBF] =	sst s2  }
0x8f: {  	_ = 	snop  }
0x90: {  	(tm) =	ssettm $0x1  }
0x91: {  	s17 =	sld [smem:$0x3FFB];
	_ =	sdelay $0x3  }
0x92: {  	_ =	strace s17  }
0x93: {  	s2 =	sld [smem:$0x3FFC];
	_ =	sdelay $0x3  }
0x94: {  	_ =	strace s2  }
0x95: {  	s2 =	sld [smem:$0x3FFD];
	_ =	sdelay $0x3  }
0x96: {  	_ =	strace s2  }
0x97: {  	_ =	strace $0x8FFFFFFF  }
0x98: {  	s18 =	sld [smem:$0x3FDB];
	_ =	sdelay $0x1  }
0x99: {  	s19 =	simm.s32 $_scs_section_size  }
0x9a: {  	s4 =	simm.s32 $_size__tile_overlayer_lowered;
	s5 =	simm.s32 $_tile_overlayer_lowered  }
0x9b: {  	s22 =	simm.s32 $0x1BFF;
	s21 =	sshll.u32 s5, $0x1;
	s2 =	sadd.s32 s19, s18  }
0x9c: {  	s6 =	simm.s32 $0x0;
	s20 =	sshll.u32 s4, $0x1;
	s4 =	sadd.s32 s21, s2  }
0x9d: {  	[timem:s6], [sflag:s22] =	dma.local [hbm:s4], s20  }
0x9e: {  	_ =	swait.ge [sflag:s22], s20  }
0x9f: {  	s3 =	ssub.s32 $0x0, s20;
	[sflag:s22] =	ssyncset.done $0x0  }
0xa0: {  	[sflag:s22] =	ssyncadd.s32 s3;
	_ =	sdelay $0x1  }
0xa1: {  	s23 =	simm.s32 $0x1B8B  }
0xa2: {  	_ =	swait.ge [sflag:s23], $0x1  }
0xa3: {  	[sflag:s23] =	ssyncset.done $0x0  }
0xa4: {  	s25 =	simm.s32 $0x1B8E;
	s24 =	sld [smem:$0x3FFE];
	[sflag:s23] =	ssyncadd.s32 $0xFFFFFFFF  }
0xa5: {  	s26 =	simm.s32 $execute0_lowered;
	[smem:$0x3FD2] =	sst s25  }
0xa6: {  	s4 =	sshll.u32 s26, $0x1;
	_ =	strace $0x80000046;
	[dreg:$0x1] =	wrdreg $0xFFFFFFFF  }
0xa7: {  	s28 =	simm.s32 $_size_execute0_lowered;
	s2 =	sadd.s32 s2, s4;
	[dreg:$0x0] =	wrdreg $0x0  }
0xa8: {  	s4 =	sshll.u32 s28, $0x1;
	[dreg:$0x2] =	wrdreg s2  }
0xa9: {  	[dreg:$0x3] =	wrdreg s4  }
0xaa: {  	[dreg:$0x4] =	wrdreg $0xC0  }
0xab: {  	_ =	task [dreg:s6], $0x5FFFF  }
0xac: {  	[dreg:$0x1] =	wrdreg $0xFFFFFFFF  }
0xad: {  	[dreg:$0x0] =	wrdreg $0x60  }
0xae: {  	[dreg:$0x2] =	wrdreg s24  }
0xaf: {  	[dreg:$0x3] =	wrdreg $0x27100  }
0xb0: {  	[dreg:$0x4] =	wrdreg $0x9  }
0xb1: {  	_ =	task.clear_ibuf [dreg:s6], $0x5FFFF;
	_ =	strace $0x90000046  }
0xb2: {  	s29 =	simm.s32 $0x9;
	_ =	strace $0x80000048  }
0xb3: {  	_ =	swait.ge [sflag:s29], $0x1  }
0xb4: {  	[sflag:s29] =	ssyncadd.s32 $0xFFFFFFFF  }
0xb5: {  	_ =	strace $0x90000048  }
0xb6: {  	_ =	sfence  }
0xb7: {  	s30 =	sld [smem:$0x0];
	_ =	sdelay $0x2  }
0xb8: {  	s31 =	sshll.u32 s1, $0xD;
	s1 =	sshrl.u32 s1, $0x2  }
0xb9: {  	s3 =	sand.u32 $0x4000, s31;
	s1 =	sadd.s32 s1, s30  }
0xba: {  	s0 =	sor.u32 s3, s0;
	s1 =	sshll.u32 s1, $0x11  }
0xbb: {  	s0 =	sor.u32 s1, s0  }
0xbc: {  	s0 =	sadd.s32 $0x8F2B, s0  }
0xbd: {  	[sflag:s0] =	ssyncadd.remote.s32 $0x1  }
0xbe: {  	_ =	sfence.sel $0xFFFF  }
0xbf: {  	[dreg:$0x0] =	wrdreg $0xFFFFFFFF;
	(pc) =	sbr.abs _section_cstart, $3  }
0xc0: {  	[dreg:$0x1] =	wrdreg $0xFFFFFFFF  }
0xc1: {  	_ =	task.clear_ibuf [dreg:s6], $0x2FFFF;
	_ =	strace $0x9FFFFFFF  }
0xc2: {  	(tm) =	ssettm $0x7FFFFFFF  }
0xc3: {  	_ =	shalt  }
tec
execute0_lowered:
.L_overlay_start_1:
0x0: {  	(tag) =	ssettag $0x1  }
0x1: {  	s1 =	srdreg.scid  }
0x2: {  	s0 =	stileid.u32;
	s4 =	rddreg [dreg:$0x0]  }
0x3: {  	s2 =	rddreg [dreg:$0x1];
	s6 =	smul.u32 $0x30D40, s0  }
0x4: {  	s3 =	simm.s32 $0x0;
	s5 =	sand.u32 $0x1, s1;
	s8 =	smul.u32 $0x1900, s0  }
0x5: {  	s12 =	simm.s32 $0x0;
	s1 =	rddreg [dreg:$0x2];
	s7 =	smul.u32 $0x186A0, s5  }
0x6: {  	[smem:$0x7FF] =	sst s3;
	s31 =	sshll.u32 s0, $0x6;
	s26 =	smul.u32 $0x19000, s5  }
0x7: {  	_ =	strace $0x80000047;
	s5 =	ssub.s32 $0x2, s5;
	s29 =	sshrl.u32 s8, $0x3  }
0x8: {  	s30 =	sshrl.u32 s5, $0x1;
	s11 =	sadd.s32 s8, s2;
	s6 =	sadd.s32 s7, s6  }
0x9: {  	s28 =	sadd.s32 s8, s26;
	s7 =	sadd.s32 s29, s4;
	s6 =	sshrl.u32 s6, $0x3  }
0xa: {  	s10 =	ssub.s32 s5, s30;
	s9 =	sadd.s32 s6, s4;
	s6 =	sshrl.u32 s28, $0x3  }
0xb: {  	s5 =	sor.u32 $0x1C01, s31;
	s6 =	sadd.s32 s6, s4;
	s4 =	sadd.s32 $0xC7200, s7  }
0xc: {  	s7 =	smax.u32 s10, $0x1;
	s8 =	sadd.s32 $0x65600, s9;
	s9 =	sshrl.u32 s11, $0x3  }
0xd: {  	v0 =	vimm.f32 $1.000000000e+00;
	s10 =	simm.s32 $0x1;
	s11 =	simm.s32 $0x1388;
	s6 =	sadd.s32 $0xCA400, s6  }
.LBB2_1:
0xe: {  	s13 =	simm.s32 $0x40;
	s14 =	simm.s32 $0x0  }
.LBB2_2:
0xf: {  	p0 =	sne.s32 s13, $0x4E00;
	[tilespmem:s14+$0x1388] =	vst v0;
	s14 =	smov.u32 s13;
	s13 =	sadd.s32 $0x40, s13  }
.Ltmp0:
0x10: {  	(pc) =	sbr.rel @p0 .LBB2_2-.Ltmp0, $2  }
0x11: {  	_ =	sdelay $0x2  }
0x12: {  	s14 =	sshra.s32 s14, $0x2  }
0x13: {  	[tilespmem:s14+$0x1388] =	vst v0  }
0x14: {  	[spmem:s9], [sflag:s5] =	dma.local [hbm:s4], $0x320  }
0x15: {  	_ =	swait.ge [sflag:s10], $0x320  }
0x16: {  	[sflag:s10] =	ssyncset.done $0x0  }
0x17: {  	[sflag:s10] =	ssyncadd.s32 $0xFFFFFCE0  }
0x18: {  	s13 =	sadd.s32 $0x0, s8;
	[bflag:$0x0] =	sbarrier.arrive $0xFFFF  }
0x19: {  	[tilespmem:s3], [sflag:$0x1] =	stream.linear.gather [hbm4b:s13+s3], $0x1388, $0x38;
	[tilespmem:$0x4010] =	vst v63  }
0x1a: {  	_ =	swait.ge [sflag:s10], $0x1388  }
0x1b: {  	[sflag:s10] =	ssyncset.done $0x0  }
0x1c: {  	[sflag:s10] =	ssyncadd.s32 $0xFFFFEC78  }
0x1d: {  	[spmem:s2] =	stream.indirect.scatter.add.f32 [tilespmem:s11], [sflag:$0x1], $0x1, s3, s11, $0xb8;
	[tilespmem:$0x4010] =	vst v63  }
0x1e: {  	_ =	swait.ge [sflag:s10], $0x1388  }
0x1f: {  	s14 =	simm.s32 $0x4E2;
	s13 =	simm.s32 $0x271;
	[sflag:s10] =	ssyncset.done $0x0  }
.LBB2_4:
0x20: {  	s15 =	sadd.s32 s13, s8  }
0x21: {  	[sflag:s10] =	ssyncadd.s32 $0xFFFFEC78;
	s13 =	smov.u32 s14;
	s16 =	sadd.s32 $0x271, s14  }
0x22: {  	[tilespmem:s3], [sflag:$0x1] =	stream.linear.gather [hbm4b:s15+s3], $0x1388, $0x38;
	[tilespmem:$0x4010] =	vst v63  }
0x23: {  	p0 =	sne.s32 s14, $0x2E63;
	_ =	swait.ge [sflag:s10], $0x1388  }
.Ltmp1:
0x24: {  	[sflag:s10] =	ssyncset.done $0x0;
	(pc) =	sbr.rel @p0 .LBB2_4-.Ltmp1, $4  }
0x25: {  	[sflag:s10] =	ssyncadd.s32 $0xFFFFEC78  }
0x26: {  	[spmem:s2] =	stream.indirect.scatter.add.f32 [tilespmem:s11], [sflag:$0x1], $0x1, s3, s11, $0xb8;
	[tilespmem:$0x4010] =	vst v63  }
0x27: {  	_ =	swait.ge [sflag:s10], $0x1388  }
0x28: {  	s14 =	smov.u32 s16;
	[sflag:s10] =	ssyncset.done $0x0  }
0x29: {  	s13 =	sadd.s32 s13, s8;
	[sflag:s10] =	ssyncadd.s32 $0xFFFFEC78  }
0x2a: {  	[tilespmem:s3], [sflag:$0x1] =	stream.linear.gather [hbm4b:s13+s3], $0x1388, $0x38;
	[tilespmem:$0x4010] =	vst v63  }
0x2b: {  	_ =	swait.ge [sflag:s10], $0x1388  }
0x2c: {  	[sflag:s10] =	ssyncset.done $0x0  }
0x2d: {  	[sflag:s10] =	ssyncadd.s32 $0xFFFFEC78  }
0x2e: {  	[spmem:s2] =	stream.indirect.scatter.add.f32 [tilespmem:s11], [sflag:$0x1], $0x1, s3, s11, $0xb8;
	[tilespmem:$0x4010] =	vst v63  }
0x2f: {  	_ =	swait.ge [sflag:s10], $0x1388  }
0x30: {  	s12 =	sadd.s32 $0x1, s12;
	[sflag:s10] =	ssyncset.done $0x0  }
0x31: {  	p0 =	sne.s32 s12, s7;
	[sflag:s10] =	ssyncadd.s32 $0xFFFFEC78  }
.Ltmp2:
0x32: {  	[bflag:$0x0] =	sbarrier.arrive $0xFFFF;
	(pc) =	sbr.rel @p0 .LBB2_1-.Ltmp2, $4  }
0x33: {  	[hbm:s6], [sflag:s5] =	dma.local [spmem:s9], $0x320  }
0x34: {  	_ =	swait.ge [sflag:s10], $0x320  }
0x35: {  	[sflag:s10] =	ssyncset.done $0x0  }
0x36: {  	[sflag:s10] =	ssyncadd.s32 $0xFFFFFCE0  }
0x37: {  	_ =	sfence.sel $0x180000  }
0x38: {  	[bflag:$0x0] =	sbarrier.arrive $0xFFFF  }
0x39: {  	p0 =	sne.s32 s0, $0x0;
	_ =	strace $0x90000047  }
0x3a: {  	s0 =	sadd.s32 @!p0 $0x100000, s1;
	[bflag:$0x2] =	sbarrier.arrive $0xFFFF  }
0x3b: {  	[sflag:s0] =	ssyncadd.tile.s32 @!p0 $0x1;
	_ =	shalt  }
.Lfunc_end2:
_tile_overlayer_lowered:
.L_overlay_start_2:
0x3c: {  	(tag) =	ssettag $0x2  }
0x3d: {  	s0 =	rddreg [dreg:$0x0];
	s2 =	stileid.u32  }
0x3e: {  	s1 =	rddreg [dreg:$0x1];
	p0 =	sne.s32 s2, $0x0  }
0x3f: {  	s3 =	rddreg [dreg:$0x2];
	[bflag:$0x3] =	sbarrier.arrive $0xFFFF;
	s2 =	simm.s32 @!p0 $0x1C01  }
0x40: {  	[timem:s3], [sflag:s2] =	dma.local @!p0 [hbm:s0], s1  }
0x41: {  	s0 =	simm.s32 @!p0 $0x1  }
0x42: {  	_ =	swait.ge @!p0 [sflag:s0], s1  }
0x43: {  	s1 =	ssub.s32 @!p0 $0x0, s1;
	[sflag:s0] =	ssyncset.done @!p0 $0x0  }
0x44: {  	[sflag:s0] =	ssyncadd.s32 @!p0 s1  }
0x45: {  	[bflag:$0x3] =	sbarrier.arrive $0xFFFF  }
0x46: {  	_ =	shalt  }

</sc_bundles>
